<compile_context>
chip_gen: v7x
topology: tpu7x:2x2x1
jax: 0.10.2.dev20260603
libtpu: 0.0.44.dev20260713+nightly
codegen_flags: <defaults>
</compile_context>

<pallas_src>
import functools

import jax
import jax.numpy as jnp
from jax import lax
from jax.experimental import pallas as pl
from jax.experimental.pallas import tpu as pltpu
from jax.experimental.pallas import tpu_sc as plsc

V = 1_000_000
D = 64
SC = 8.0
B = 4096 * 200
NW = 32
ROWS_PER_W = B // NW
CHUNK = 256
K = CHUNK // 128
NCHUNK = ROWS_PER_W // CHUNK
NPAIR = NCHUNK // 2

_mesh = plsc.VectorSubcoreMesh(core_axis_name="c", subcore_axis_name="s")


@functools.partial(
    pl.kernel,
    mesh=_mesh,
    compiler_params=pltpu.CompilerParams(
        needs_layout_passes=False, use_tc_tiling_on_sc=False
    ),
    out_type=jax.ShapeDtypeStruct((B, D), jnp.bfloat16),
    scratch_types=[
        pltpu.VMEM((K, 128), jnp.int32),
        pltpu.VMEM((K, 128), jnp.int32),
        pltpu.VMEM((CHUNK, D), jnp.float32),
        pltpu.VMEM((CHUNK, D), jnp.float32),
        pltpu.VMEM((CHUNK, D), jnp.bfloat16),
        pltpu.VMEM((CHUNK, D), jnp.bfloat16),
        pltpu.SemaphoreType.DMA,
        pltpu.SemaphoreType.DMA,
        pltpu.SemaphoreType.DMA,
        pltpu.SemaphoreType.DMA,
    ],
)
def _emb(
    w_hbm, idx_hbm, out_hbm,
    idx_a, idx_b, rows_a, rows_b, out_a, out_b,
    gsem_a, gsem_b, osem_a, osem_b,
):
    wid = lax.axis_index("s") * 2 + lax.axis_index("c")
    iota = lax.iota(jnp.int32, 16)
    ev = iota * 2
    bufs = (
        (idx_a, rows_a, out_a, gsem_a, osem_a),
        (idx_b, rows_b, out_b, gsem_b, osem_b),
    )

    def fire(g, slot):
        idx_v, rows_v, _, gsem, _ = bufs[slot]
        grp0 = wid * (ROWS_PER_W // 128) + g * K
        pltpu.sync_copy(idx_hbm.at[pl.ds(grp0, K)], idx_v)
        for k in range(K):
            pltpu.async_copy(
                w_hbm.at[idx_v.at[k]], rows_v.at[pl.ds(k * 128, 128)], gsem
            )

    def drain_gather(slot):
        _, rows_v, _, gsem, _ = bufs[slot]
        for k in range(K):
            pltpu.make_async_copy(
                w_hbm.at[pl.ds(0, 128)], rows_v.at[pl.ds(k * 128, 128)], gsem
            ).wait()

    def drain_store(slot):
        _, _, out_v, _, osem = bufs[slot]
        pltpu.make_async_copy(
            out_hbm.at[pl.ds(0, CHUNK)], out_v, osem
        ).wait()

    def compute_store(g, slot):
        _, rows_v, out_v, _, osem = bufs[slot]

        @plsc.parallel_loop(0, CHUNK, 1, unroll=8)
        def _row(r):
            re = jnp.full((16,), r, dtype=jnp.int32)
            for h in range(2):
                ce = ev + 32 * h
                a = plsc.load_gather(rows_v, [re, ce])
                b = plsc.load_gather(rows_v, [re, ce + 1])
                out_v[r, pl.ds(32 * h, 32)] = plsc.pack(
                    a * SC, b * SC, format=plsc.PackFormat.INTERLEAVED
                )

        row0 = wid * ROWS_PER_W + g * CHUNK
        pltpu.async_copy(out_v, out_hbm.at[pl.ds(row0, CHUNK)], osem)

    fire(0, 0)
    fire(1, 1)

    def pair_body(p, carry):
        for slot in range(2):
            g = 2 * p + slot
            drain_gather(slot)
            pl.when(p > 0)(lambda slot=slot: drain_store(slot))
            compute_store(g, slot)
            pl.when(p < NPAIR - 1)(lambda g=g, slot=slot: fire(g + 2, slot))
        return carry

    lax.fori_loop(0, NPAIR, pair_body, 0)
    drain_store(0)
    drain_store(1)


def kernel(input, weight):
    idx2 = input.reshape(B // 128, 128)
    return _emb(weight, idx2).reshape(4096, 200, D)

# --- scband reference (transcript-rebuilt; emitter-appended) ---
"""Pipeline reference for scband-casted-scaled-embedding-7258494730630 (READ-ONLY COPY).

The authoritative reference and input builder live on the scoring server;
editing this copy changes nothing except your own understanding.
"""

import jax, jax.numpy as jnp
import numpy as np

NUM_EMBEDDINGS = 1000000
EMBEDDING_DIM = 64
SCALE = EMBEDDING_DIM ** 0.5


def setup_inputs(seed: int = 0) -> dict:
    key = jax.random.key(seed)
    k1, k2 = jax.random.split(key)
    indices = jax.random.randint(k1, (4096, 200), 0, NUM_EMBEDDINGS, dtype=jnp.int32)
    # trunc_normal init with std = 1/sqrt(embedding_dim)
    weight = jax.random.truncated_normal(k2, -2.0, 2.0, (NUM_EMBEDDINGS, EMBEDDING_DIM), dtype=jnp.float32) * (1.0 / SCALE)
    return {"input": indices, "weight": weight}


def reference(input, weight):
    # forward: F.embedding(input, scale * weight.to(cast_to))
    table = (SCALE * weight).astype(jnp.bfloat16)
    return jnp.take(table, input, axis=0)

if __name__ == "__main__":
    import jax
    _d = setup_inputs()
    print(jax.jit(kernel)(*tuple(_d.values())))

</pallas_src>

<mosaic_0001>
#map = affine_map<(d0, d1) -> (0, 0)>
module attributes {stable_mosaic.version = 14 : i64} {
  func.func @_emb(%arg0: i32, %arg1: i32, %arg2: memref<1000000x64xf32, #tpu.memory_space<hbm>>, %arg3: memref<6400x128xi32, #tpu.memory_space<hbm>>, %arg4: memref<819200x64xbf16, #tpu.memory_space<hbm>>, %arg5: memref<2x128xi32, #tpu.memory_space<vmem>>, %arg6: memref<2x128xi32, #tpu.memory_space<vmem>>, %arg7: memref<256x64xf32, #tpu.memory_space<vmem>>, %arg8: memref<256x64xf32, #tpu.memory_space<vmem>>, %arg9: memref<256x64xbf16, #tpu.memory_space<vmem>>, %arg10: memref<256x64xbf16, #tpu.memory_space<vmem>>, %arg11: memref<!tpu.dma_semaphore, #tpu.memory_space<semaphore_mem>>, %arg12: memref<!tpu.dma_semaphore, #tpu.memory_space<semaphore_mem>>, %arg13: memref<!tpu.dma_semaphore, #tpu.memory_space<semaphore_mem>>, %arg14: memref<!tpu.dma_semaphore, #tpu.memory_space<semaphore_mem>>) attributes {dimension_semantics = [#tpu.dimension_semantics<core_parallel>, #tpu.dimension_semantics<subcore_parallel>], iteration_bounds = array<i64: 2, 16>, scalar_prefetch = 0 : i64, scratch_operands = 10 : i64, tpu.core_type = #tpu.core_type<sc_vector_subcore>, window_params = [{transform_indices = #map}, {transform_indices = #map}, {transform_indices = #map}]} {
    %mul3A = arith.constant 2 : i32
    %mul3A_0 = arith.muli %arg1, %mul3A : i32
    %add3A = arith.addi %mul3A_0, %arg0 : i32
    %iota3A = tpu.iota {dimensions = array<i32: 0>} : vector<16xi32>
    %mul3A_1 = arith.constant 2 : i32
    %mul3A_2 = vector.broadcast %mul3A_1 : i32 to vector<16xi32>
    %mul3A_3 = arith.muli %iota3A, %mul3A_2 : vector<16xi32>
    %mul3A_4 = arith.constant 200 : i32
    %mul3A_5 = arith.muli %add3A, %mul3A_4 : i32
    %add3A_6 = arith.constant 0 : i32
    %add3A_7 = arith.addi %mul3A_5, %add3A_6 : i32
    "tpu.region"() ({
      %run_scoped3A = tpu.sem_alloc : memref<!tpu.dma_semaphore, #tpu.memory_space<semaphore_mem>>
      %dma_start3A_67 = arith.constant 0 : i32
      %dma_start3A_68 = tpu.memref_slice %arg3[%add3A_7, %dma_start3A_67] : memref<6400x128xi32, #tpu.memory_space<hbm>> -> memref<2x128xi32, #tpu.memory_space<hbm>>
      %dma_start3A_69 = arith.constant 0 : i32
      %dma_start3A_70 = tpu.memref_slice %arg3[%add3A_7, %dma_start3A_69] : memref<6400x128xi32, #tpu.memory_space<hbm>> -> memref<2x128xi32, #tpu.memory_space<hbm>>
      tpu.enqueue_dma source(%dma_start3A_70 : memref<2x128xi32, #tpu.memory_space<hbm>>) target(%arg5 : memref<2x128xi32, #tpu.memory_space<vmem>>) target_semaphore(%run_scoped3A : memref<!tpu.dma_semaphore, #tpu.memory_space<semaphore_mem>>)
      %dma_wait3A_71 = arith.constant 0 : i32
      %dma_wait3A_72 = tpu.memref_slice %arg3[%add3A_7, %dma_wait3A_71] : memref<6400x128xi32, #tpu.memory_space<hbm>> -> memref<2x128xi32, #tpu.memory_space<hbm>>
      %dma_wait3A_73 = arith.constant 0 : i32
      %dma_wait3A_74 = tpu.memref_slice %arg3[%add3A_7, %dma_wait3A_73] : memref<6400x128xi32, #tpu.memory_space<hbm>> -> memref<2x128xi32, #tpu.memory_space<hbm>>
      tpu.wait_dma2 semaphore(%run_scoped3A : memref<!tpu.dma_semaphore, #tpu.memory_space<semaphore_mem>>) src(%dma_wait3A_74 : memref<2x128xi32, #tpu.memory_space<hbm>>) dst(%arg5 : memref<2x128xi32, #tpu.memory_space<vmem>>)
      tpu.yield
    }) : () -> ()
    %dma_start3A = arith.constant 0 : i32
    %dma_start3A_8 = arith.constant 0 : i32
    %dma_start3A_9 = arith.constant 0 : i32
    %dma_start3A_10 = tpu.memref_slice %arg7[%dma_start3A_8, %dma_start3A_9] : memref<256x64xf32, #tpu.memory_space<vmem>> -> memref<128x64xf32, #tpu.memory_space<vmem>>
    %dma_start3A_11 = arith.constant 0 : i32
    %dma_start3A_12 = tpu.memref_slice %arg5[%dma_start3A, %dma_start3A_11] : memref<2x128xi32, #tpu.memory_space<vmem>> -> memref<1x128xi32, #tpu.memory_space<vmem>>
    %dma_start3A_13 = tpu.memref_squeeze %dma_start3A_12 : memref<1x128xi32, #tpu.memory_space<vmem>> -> memref<128xi32, #tpu.memory_space<vmem>>
    %dma_start3A_14 = arith.constant 0 : i32
    %dma_start3A_15 = arith.constant 0 : i32
    %dma_start3A_16 = tpu.memref_slice %arg2[%dma_start3A_14, %dma_start3A_15] : memref<1000000x64xf32, #tpu.memory_space<hbm>> -> memref<1000000x64xf32, #tpu.memory_space<hbm>>
    tpu.enqueue_indirect_dma source(%dma_start3A_16 : memref<1000000x64xf32, #tpu.memory_space<hbm>>) target(%dma_start3A_10 : memref<128x64xf32, #tpu.memory_space<vmem>>) offsets(%dma_start3A_13 : memref<128xi32, #tpu.memory_space<vmem>>) semaphore(%arg11 : memref<!tpu.dma_semaphore, #tpu.memory_space<semaphore_mem>>)
    %dma_start3A_17 = arith.constant 1 : i32
    %dma_start3A_18 = arith.constant 128 : i32
    %dma_start3A_19 = arith.constant 0 : i32
    %dma_start3A_20 = tpu.memref_slice %arg7[%dma_start3A_18, %dma_start3A_19] : memref<256x64xf32, #tpu.memory_space<vmem>> -> memref<128x64xf32, #tpu.memory_space<vmem>>
    %dma_start3A_21 = arith.constant 0 : i32
    %dma_start3A_22 = tpu.memref_slice %arg5[%dma_start3A_17, %dma_start3A_21] : memref<2x128xi32, #tpu.memory_space<vmem>> -> memref<1x128xi32, #tpu.memory_space<vmem>>
    %dma_start3A_23 = tpu.memref_squeeze %dma_start3A_22 : memref<1x128xi32, #tpu.memory_space<vmem>> -> memref<128xi32, #tpu.memory_space<vmem>>
    %dma_start3A_24 = arith.constant 0 : i32
    %dma_start3A_25 = arith.constant 0 : i32
    %dma_start3A_26 = tpu.memref_slice %arg2[%dma_start3A_24, %dma_start3A_25] : memref<1000000x64xf32, #tpu.memory_space<hbm>> -> memref<1000000x64xf32, #tpu.memory_space<hbm>>
    tpu.enqueue_indirect_dma source(%dma_start3A_26 : memref<1000000x64xf32, #tpu.memory_space<hbm>>) target(%dma_start3A_20 : memref<128x64xf32, #tpu.memory_space<vmem>>) offsets(%dma_start3A_23 : memref<128xi32, #tpu.memory_space<vmem>>) semaphore(%arg11 : memref<!tpu.dma_semaphore, #tpu.memory_space<semaphore_mem>>)
    %mul3A_27 = arith.constant 200 : i32
    %mul3A_28 = arith.muli %add3A, %mul3A_27 : i32
    %add3A_29 = arith.constant 2 : i32
    %add3A_30 = arith.addi %mul3A_28, %add3A_29 : i32
    "tpu.region"() ({
      %run_scoped3A = tpu.sem_alloc : memref<!tpu.dma_semaphore, #tpu.memory_space<semaphore_mem>>
      %dma_start3A_67 = arith.constant 0 : i32
      %dma_start3A_68 = tpu.memref_slice %arg3[%add3A_30, %dma_start3A_67] : memref<6400x128xi32, #tpu.memory_space<hbm>> -> memref<2x128xi32, #tpu.memory_space<hbm>>
      %dma_start3A_69 = arith.constant 0 : i32
      %dma_start3A_70 = tpu.memref_slice %arg3[%add3A_30, %dma_start3A_69] : memref<6400x128xi32, #tpu.memory_space<hbm>> -> memref<2x128xi32, #tpu.memory_space<hbm>>
      tpu.enqueue_dma source(%dma_start3A_70 : memref<2x128xi32, #tpu.memory_space<hbm>>) target(%arg6 : memref<2x128xi32, #tpu.memory_space<vmem>>) target_semaphore(%run_scoped3A : memref<!tpu.dma_semaphore, #tpu.memory_space<semaphore_mem>>)
      %dma_wait3A_71 = arith.constant 0 : i32
      %dma_wait3A_72 = tpu.memref_slice %arg3[%add3A_30, %dma_wait3A_71] : memref<6400x128xi32, #tpu.memory_space<hbm>> -> memref<2x128xi32, #tpu.memory_space<hbm>>
      %dma_wait3A_73 = arith.constant 0 : i32
      %dma_wait3A_74 = tpu.memref_slice %arg3[%add3A_30, %dma_wait3A_73] : memref<6400x128xi32, #tpu.memory_space<hbm>> -> memref<2x128xi32, #tpu.memory_space<hbm>>
      tpu.wait_dma2 semaphore(%run_scoped3A : memref<!tpu.dma_semaphore, #tpu.memory_space<semaphore_mem>>) src(%dma_wait3A_74 : memref<2x128xi32, #tpu.memory_space<hbm>>) dst(%arg6 : memref<2x128xi32, #tpu.memory_space<vmem>>)
      tpu.yield
    }) : () -> ()
    %dma_start3A_31 = arith.constant 0 : i32
    %dma_start3A_32 = arith.constant 0 : i32
    %dma_start3A_33 = arith.constant 0 : i32
    %dma_start3A_34 = tpu.memref_slice %arg8[%dma_start3A_32, %dma_start3A_33] : memref<256x64xf32, #tpu.memory_space<vmem>> -> memref<128x64xf32, #tpu.memory_space<vmem>>
    %dma_start3A_35 = arith.constant 0 : i32
    %dma_start3A_36 = tpu.memref_slice %arg6[%dma_start3A_31, %dma_start3A_35] : memref<2x128xi32, #tpu.memory_space<vmem>> -> memref<1x128xi32, #tpu.memory_space<vmem>>
    %dma_start3A_37 = tpu.memref_squeeze %dma_start3A_36 : memref<1x128xi32, #tpu.memory_space<vmem>> -> memref<128xi32, #tpu.memory_space<vmem>>
    %dma_start3A_38 = arith.constant 0 : i32
    %dma_start3A_39 = arith.constant 0 : i32
    %dma_start3A_40 = tpu.memref_slice %arg2[%dma_start3A_38, %dma_start3A_39] : memref<1000000x64xf32, #tpu.memory_space<hbm>> -> memref<1000000x64xf32, #tpu.memory_space<hbm>>
    tpu.enqueue_indirect_dma source(%dma_start3A_40 : memref<1000000x64xf32, #tpu.memory_space<hbm>>) target(%dma_start3A_34 : memref<128x64xf32, #tpu.memory_space<vmem>>) offsets(%dma_start3A_37 : memref<128xi32, #tpu.memory_space<vmem>>) semaphore(%arg12 : memref<!tpu.dma_semaphore, #tpu.memory_space<semaphore_mem>>)
    %dma_start3A_41 = arith.constant 1 : i32
    %dma_start3A_42 = arith.constant 128 : i32
    %dma_start3A_43 = arith.constant 0 : i32
    %dma_start3A_44 = tpu.memref_slice %arg8[%dma_start3A_42, %dma_start3A_43] : memref<256x64xf32, #tpu.memory_space<vmem>> -> memref<128x64xf32, #tpu.memory_space<vmem>>
    %dma_start3A_45 = arith.constant 0 : i32
    %dma_start3A_46 = tpu.memref_slice %arg6[%dma_start3A_41, %dma_start3A_45] : memref<2x128xi32, #tpu.memory_space<vmem>> -> memref<1x128xi32, #tpu.memory_space<vmem>>
    %dma_start3A_47 = tpu.memref_squeeze %dma_start3A_46 : memref<1x128xi32, #tpu.memory_space<vmem>> -> memref<128xi32, #tpu.memory_space<vmem>>
    %dma_start3A_48 = arith.constant 0 : i32
    %dma_start3A_49 = arith.constant 0 : i32
    %dma_start3A_50 = tpu.memref_slice %arg2[%dma_start3A_48, %dma_start3A_49] : memref<1000000x64xf32, #tpu.memory_space<hbm>> -> memref<1000000x64xf32, #tpu.memory_space<hbm>>
    tpu.enqueue_indirect_dma source(%dma_start3A_50 : memref<1000000x64xf32, #tpu.memory_space<hbm>>) target(%dma_start3A_44 : memref<128x64xf32, #tpu.memory_space<vmem>>) offsets(%dma_start3A_47 : memref<128xi32, #tpu.memory_space<vmem>>) semaphore(%arg12 : memref<!tpu.dma_semaphore, #tpu.memory_space<semaphore_mem>>)
    %scan3A = arith.constant 0 : i32
    %scan3A_51 = arith.constant 0 : i32
    %scan3A_52 = arith.constant 50 : i32
    %scan3A_53 = arith.addi %scan3A_51, %scan3A_52 : i32
    %scan3A_54 = arith.constant 1 : i32
    scf.for %scan3A_67 = %scan3A_51 to %scan3A_53 step %scan3A_54  : i32 {
      %mul3A_68 = arith.constant 2 : i32
      %mul3A_69 = arith.muli %mul3A_68, %scan3A_67 : i32
      %add3A_70 = arith.constant 0 : i32
      %add3A_71 = arith.addi %mul3A_69, %add3A_70 : i32
      %dma_wait3A_72 = arith.constant 0 : i32
      %dma_wait3A_73 = arith.constant 0 : i32
      %dma_wait3A_74 = tpu.memref_slice %arg7[%dma_wait3A_72, %dma_wait3A_73] : memref<256x64xf32, #tpu.memory_space<vmem>> -> memref<128x64xf32, #tpu.memory_space<vmem>>
      %dma_wait3A_75 = arith.constant 0 : i32
      %dma_wait3A_76 = arith.constant 0 : i32
      %dma_wait3A_77 = tpu.memref_slice %arg2[%dma_wait3A_75, %dma_wait3A_76] : memref<1000000x64xf32, #tpu.memory_space<hbm>> -> memref<128x64xf32, #tpu.memory_space<hbm>>
      %dma_wait3A_78 = arith.constant 0 : i32
      %dma_wait3A_79 = arith.constant 0 : i32
      %dma_wait3A_80 = tpu.memref_slice %arg7[%dma_wait3A_78, %dma_wait3A_79] : memref<256x64xf32, #tpu.memory_space<vmem>> -> memref<128x64xf32, #tpu.memory_space<vmem>>
      %dma_wait3A_81 = arith.constant 0 : i32
      %dma_wait3A_82 = arith.constant 0 : i32
      %dma_wait3A_83 = tpu.memref_slice %arg2[%dma_wait3A_81, %dma_wait3A_82] : memref<1000000x64xf32, #tpu.memory_space<hbm>> -> memref<128x64xf32, #tpu.memory_space<hbm>>
      tpu.wait_dma2 semaphore(%arg11 : memref<!tpu.dma_semaphore, #tpu.memory_space<semaphore_mem>>) src(%dma_wait3A_83 : memref<128x64xf32, #tpu.memory_space<hbm>>) dst(%dma_wait3A_80 : memref<128x64xf32, #tpu.memory_space<vmem>>)
      %dma_wait3A_84 = arith.constant 128 : i32
      %dma_wait3A_85 = arith.constant 0 : i32
      %dma_wait3A_86 = tpu.memref_slice %arg7[%dma_wait3A_84, %dma_wait3A_85] : memref<256x64xf32, #tpu.memory_space<vmem>> -> memref<128x64xf32, #tpu.memory_space<vmem>>
      %dma_wait3A_87 = arith.constant 0 : i32
      %dma_wait3A_88 = arith.constant 0 : i32
      %dma_wait3A_89 = tpu.memref_slice %arg2[%dma_wait3A_87, %dma_wait3A_88] : memref<1000000x64xf32, #tpu.memory_space<hbm>> -> memref<128x64xf32, #tpu.memory_space<hbm>>
      %dma_wait3A_90 = arith.constant 128 : i32
      %dma_wait3A_91 = arith.constant 0 : i32
      %dma_wait3A_92 = tpu.memref_slice %arg7[%dma_wait3A_90, %dma_wait3A_91] : memref<256x64xf32, #tpu.memory_space<vmem>> -> memref<128x64xf32, #tpu.memory_space<vmem>>
      %dma_wait3A_93 = arith.constant 0 : i32
      %dma_wait3A_94 = arith.constant 0 : i32
      %dma_wait3A_95 = tpu.memref_slice %arg2[%dma_wait3A_93, %dma_wait3A_94] : memref<1000000x64xf32, #tpu.memory_space<hbm>> -> memref<128x64xf32, #tpu.memory_space<hbm>>
      tpu.wait_dma2 semaphore(%arg11 : memref<!tpu.dma_semaphore, #tpu.memory_space<semaphore_mem>>) src(%dma_wait3A_95 : memref<128x64xf32, #tpu.memory_space<hbm>>) dst(%dma_wait3A_92 : memref<128x64xf32, #tpu.memory_space<vmem>>)
      %gt3A = arith.constant 0 : i32
      %gt3A_96 = arith.cmpi sgt, %scan3A_67, %gt3A : i32
      %convert_element_type3A = arith.extui %gt3A_96 : i1 to i32
      %cond3A = arith.constant 0 : i32
      %cond3A_97 = arith.cmpi ne, %convert_element_type3A, %cond3A : i32
      scf.if %cond3A_97 {
        %dma_wait3A_163 = arith.constant 0 : i32
        %dma_wait3A_164 = arith.constant 0 : i32
        %dma_wait3A_165 = tpu.memref_slice %arg4[%dma_wait3A_163, %dma_wait3A_164] : memref<819200x64xbf16, #tpu.memory_space<hbm>> -> memref<256x64xbf16, #tpu.memory_space<hbm>>
        %dma_wait3A_166 = arith.constant 0 : i32
        %dma_wait3A_167 = arith.constant 0 : i32
        %dma_wait3A_168 = tpu.memref_slice %arg4[%dma_wait3A_166, %dma_wait3A_167] : memref<819200x64xbf16, #tpu.memory_space<hbm>> -> memref<256x64xbf16, #tpu.memory_space<hbm>>
        tpu.wait_dma2 semaphore(%arg13 : memref<!tpu.dma_semaphore, #tpu.memory_space<semaphore_mem>>) src(%dma_wait3A_168 : memref<256x64xbf16, #tpu.memory_space<hbm>>) dst(%arg9 : memref<256x64xbf16, #tpu.memory_space<vmem>>)
      } else {
      }
      %parallel_loop3A = arith.constant 0 : i32
      %parallel_loop3A_98 = arith.constant 256 : i32
      %parallel_loop3A_99 = arith.constant 1 : i32
      scf.for %parallel_loop3A_163 = %parallel_loop3A to %parallel_loop3A_98 step %parallel_loop3A_99  : i32 {
        %parallel_loop3A_164 = vector.broadcast %parallel_loop3A_163 : i32 to vector<16xi32>
        %parallel_loop3A_165 = arith.constant 0 : i32
        %parallel_loop3A_166 = vector.broadcast %parallel_loop3A_165 : i32 to vector<16xi32>
        %parallel_loop3A_167 = arith.addi %mul3A_3, %parallel_loop3A_166 : vector<16xi32>
        %parallel_loop3A_168 = tpu.vector_load_idx %arg7[%parallel_loop3A_164, %parallel_loop3A_167] : memref<256x64xf32, #tpu.memory_space<vmem>>[vector<16xi32>, vector<16xi32>], vector<16xf32>,
        %parallel_loop3A_169 = arith.constant 1 : i32
        %parallel_loop3A_170 = vector.broadcast %parallel_loop3A_169 : i32 to vector<16xi32>
        %parallel_loop3A_171 = arith.addi %parallel_loop3A_167, %parallel_loop3A_170 : vector<16xi32>
        %parallel_loop3A_172 = tpu.vector_load_idx %arg7[%parallel_loop3A_164, %parallel_loop3A_171] : memref<256x64xf32, #tpu.memory_space<vmem>>[vector<16xi32>, vector<16xi32>], vector<16xf32>,
        %parallel_loop3A_173 = arith.constant 8.000000e+00 : f32
        %parallel_loop3A_174 = vector.broadcast %parallel_loop3A_173 : f32 to vector<16xf32>
        %parallel_loop3A_175 = arith.mulf %parallel_loop3A_168, %parallel_loop3A_174 : vector<16xf32>
        %parallel_loop3A_176 = arith.constant 8.000000e+00 : f32
        %parallel_loop3A_177 = vector.broadcast %parallel_loop3A_176 : f32 to vector<16xf32>
        %parallel_loop3A_178 = arith.mulf %parallel_loop3A_172, %parallel_loop3A_177 : vector<16xf32>
        %parallel_loop3A_179 = tpu.pack_subelements %parallel_loop3A_175, %parallel_loop3A_178 {pack_format = #tpu.pack_format<interleaved>, positions = array<i32: 0, 1>} : vector<16xf32>, vector<16xf32> -> vector<32xbf16>
        %parallel_loop3A_180 = arith.index_cast %parallel_loop3A_163 : i32 to index
        %parallel_loop3A_181 = arith.constant 0 : index
        %parallel_loop3A_182 = tpu.vector_load %arg9[%parallel_loop3A_180, %parallel_loop3A_181] {strides = array<i32>} : memref<256x64xbf16, #tpu.memory_space<vmem>>, vector<32xbf16>,
        tpu.vector_store %arg9[%parallel_loop3A_180, %parallel_loop3A_181], %parallel_loop3A_179 {strides = array<i32>} : memref<256x64xbf16, #tpu.memory_space<vmem>>, vector<32xbf16>,
        %parallel_loop3A_183 = arith.constant 32 : i32
        %parallel_loop3A_184 = vector.broadcast %parallel_loop3A_183 : i32 to vector<16xi32>
        %parallel_loop3A_185 = arith.addi %mul3A_3, %parallel_loop3A_184 : vector<16xi32>
        %parallel_loop3A_186 = tpu.vector_load_idx %arg7[%parallel_loop3A_164, %parallel_loop3A_185] : memref<256x64xf32, #tpu.memory_space<vmem>>[vector<16xi32>, vector<16xi32>], vector<16xf32>,
        %parallel_loop3A_187 = arith.constant 1 : i32
        %parallel_loop3A_188 = vector.broadcast %parallel_loop3A_187 : i32 to vector<16xi32>
        %parallel_loop3A_189 = arith.addi %parallel_loop3A_185, %parallel_loop3A_188 : vector<16xi32>
        %parallel_loop3A_190 = tpu.vector_load_idx %arg7[%parallel_loop3A_164, %parallel_loop3A_189] : memref<256x64xf32, #tpu.memory_space<vmem>>[vector<16xi32>, vector<16xi32>], vector<16xf32>,
        %parallel_loop3A_191 = arith.constant 8.000000e+00 : f32
        %parallel_loop3A_192 = vector.broadcast %parallel_loop3A_191 : f32 to vector<16xf32>
        %parallel_loop3A_193 = arith.mulf %parallel_loop3A_186, %parallel_loop3A_192 : vector<16xf32>
        %parallel_loop3A_194 = arith.constant 8.000000e+00 : f32
        %parallel_loop3A_195 = vector.broadcast %parallel_loop3A_194 : f32 to vector<16xf32>
        %parallel_loop3A_196 = arith.mulf %parallel_loop3A_190, %parallel_loop3A_195 : vector<16xf32>
        %parallel_loop3A_197 = tpu.pack_subelements %parallel_loop3A_193, %parallel_loop3A_196 {pack_format = #tpu.pack_format<interleaved>, positions = array<i32: 0, 1>} : vector<16xf32>, vector<16xf32> -> vector<32xbf16>
        %parallel_loop3A_198 = arith.index_cast %parallel_loop3A_163 : i32 to index
        %parallel_loop3A_199 = arith.constant 32 : index
        %parallel_loop3A_200 = tpu.vector_load %arg9[%parallel_loop3A_198, %parallel_loop3A_199] {strides = array<i32>} : memref<256x64xbf16, #tpu.memory_space<vmem>>, vector<32xbf16>,
        tpu.vector_store %arg9[%parallel_loop3A_198, %parallel_loop3A_199], %parallel_loop3A_197 {strides = array<i32>} : memref<256x64xbf16, #tpu.memory_space<vmem>>, vector<32xbf16>,
      } {sc.loop_unroll_factor = 8 : i64, sc.parallel_access}
      %mul3A_100 = arith.constant 25600 : i32
      %mul3A_101 = arith.muli %add3A, %mul3A_100 : i32
      %mul3A_102 = arith.constant 256 : i32
      %mul3A_103 = arith.muli %add3A_71, %mul3A_102 : i32
      %add3A_104 = arith.addi %mul3A_101, %mul3A_103 : i32
      %dma_start3A_105 = arith.constant 0 : i32
      %dma_start3A_106 = tpu.memref_slice %arg4[%add3A_104, %dma_start3A_105] : memref<819200x64xbf16, #tpu.memory_space<hbm>> -> memref<256x64xbf16, #tpu.memory_space<hbm>>
      %dma_start3A_107 = arith.constant 0 : i32
      %dma_start3A_108 = tpu.memref_slice %arg4[%add3A_104, %dma_start3A_107] : memref<819200x64xbf16, #tpu.memory_space<hbm>> -> memref<256x64xbf16, #tpu.memory_space<hbm>>
      tpu.enqueue_dma source(%arg9 : memref<256x64xbf16, #tpu.memory_space<vmem>>) target(%dma_start3A_108 : memref<256x64xbf16, #tpu.memory_space<hbm>>) target_semaphore(%arg13 : memref<!tpu.dma_semaphore, #tpu.memory_space<semaphore_mem>>)
      %lt3A = arith.constant 49 : i32
      %lt3A_109 = arith.cmpi slt, %scan3A_67, %lt3A : i32
      %convert_element_type3A_110 = arith.extui %lt3A_109 : i1 to i32
      %cond3A_111 = arith.constant 0 : i32
      %cond3A_112 = arith.cmpi ne, %convert_element_type3A_110, %cond3A_111 : i32
      scf.if %cond3A_112 {
        %add3A_163 = arith.constant 2 : i32
        %add3A_164 = arith.addi %add3A_71, %add3A_163 : i32
        %mul3A_165 = arith.constant 200 : i32
        %mul3A_166 = arith.muli %add3A, %mul3A_165 : i32
        %mul3A_167 = arith.constant 2 : i32
        %mul3A_168 = arith.muli %add3A_164, %mul3A_167 : i32
        %add3A_169 = arith.addi %mul3A_166, %mul3A_168 : i32
        "tpu.region"() ({
          %run_scoped3A = tpu.sem_alloc : memref<!tpu.dma_semaphore, #tpu.memory_space<semaphore_mem>>
          %dma_start3A_190 = arith.constant 0 : i32
          %dma_start3A_191 = tpu.memref_slice %arg3[%add3A_169, %dma_start3A_190] : memref<6400x128xi32, #tpu.memory_space<hbm>> -> memref<2x128xi32, #tpu.memory_space<hbm>>
          %dma_start3A_192 = arith.constant 0 : i32
          %dma_start3A_193 = tpu.memref_slice %arg3[%add3A_169, %dma_start3A_192] : memref<6400x128xi32, #tpu.memory_space<hbm>> -> memref<2x128xi32, #tpu.memory_space<hbm>>
          tpu.enqueue_dma source(%dma_start3A_193 : memref<2x128xi32, #tpu.memory_space<hbm>>) target(%arg5 : memref<2x128xi32, #tpu.memory_space<vmem>>) target_semaphore(%run_scoped3A : memref<!tpu.dma_semaphore, #tpu.memory_space<semaphore_mem>>)
          %dma_wait3A_194 = arith.constant 0 : i32
          %dma_wait3A_195 = tpu.memref_slice %arg3[%add3A_169, %dma_wait3A_194] : memref<6400x128xi32, #tpu.memory_space<hbm>> -> memref<2x128xi32, #tpu.memory_space<hbm>>
          %dma_wait3A_196 = arith.constant 0 : i32
          %dma_wait3A_197 = tpu.memref_slice %arg3[%add3A_169, %dma_wait3A_196] : memref<6400x128xi32, #tpu.memory_space<hbm>> -> memref<2x128xi32, #tpu.memory_space<hbm>>
          tpu.wait_dma2 semaphore(%run_scoped3A : memref<!tpu.dma_semaphore, #tpu.memory_space<semaphore_mem>>) src(%dma_wait3A_197 : memref<2x128xi32, #tpu.memory_space<hbm>>) dst(%arg5 : memref<2x128xi32, #tpu.memory_space<vmem>>)
          tpu.yield
        }) : () -> ()
        %dma_start3A_170 = arith.constant 0 : i32
        %dma_start3A_171 = arith.constant 0 : i32
        %dma_start3A_172 = arith.constant 0 : i32
        %dma_start3A_173 = tpu.memref_slice %arg7[%dma_start3A_171, %dma_start3A_172] : memref<256x64xf32, #tpu.memory_space<vmem>> -> memref<128x64xf32, #tpu.memory_space<vmem>>
        %dma_start3A_174 = arith.constant 0 : i32
        %dma_start3A_175 = tpu.memref_slice %arg5[%dma_start3A_170, %dma_start3A_174] : memref<2x128xi32, #tpu.memory_space<vmem>> -> memref<1x128xi32, #tpu.memory_space<vmem>>
        %dma_start3A_176 = tpu.memref_squeeze %dma_start3A_175 : memref<1x128xi32, #tpu.memory_space<vmem>> -> memref<128xi32, #tpu.memory_space<vmem>>
        %dma_start3A_177 = arith.constant 0 : i32
        %dma_start3A_178 = arith.constant 0 : i32
        %dma_start3A_179 = tpu.memref_slice %arg2[%dma_start3A_177, %dma_start3A_178] : memref<1000000x64xf32, #tpu.memory_space<hbm>> -> memref<1000000x64xf32, #tpu.memory_space<hbm>>
        tpu.enqueue_indirect_dma source(%dma_start3A_179 : memref<1000000x64xf32, #tpu.memory_space<hbm>>) target(%dma_start3A_173 : memref<128x64xf32, #tpu.memory_space<vmem>>) offsets(%dma_start3A_176 : memref<128xi32, #tpu.memory_space<vmem>>) semaphore(%arg11 : memref<!tpu.dma_semaphore, #tpu.memory_space<semaphore_mem>>)
        %dma_start3A_180 = arith.constant 1 : i32
        %dma_start3A_181 = arith.constant 128 : i32
        %dma_start3A_182 = arith.constant 0 : i32
        %dma_start3A_183 = tpu.memref_slice %arg7[%dma_start3A_181, %dma_start3A_182] : memref<256x64xf32, #tpu.memory_space<vmem>> -> memref<128x64xf32, #tpu.memory_space<vmem>>
        %dma_start3A_184 = arith.constant 0 : i32
        %dma_start3A_185 = tpu.memref_slice %arg5[%dma_start3A_180, %dma_start3A_184] : memref<2x128xi32, #tpu.memory_space<vmem>> -> memref<1x128xi32, #tpu.memory_space<vmem>>
        %dma_start3A_186 = tpu.memref_squeeze %dma_start3A_185 : memref<1x128xi32, #tpu.memory_space<vmem>> -> memref<128xi32, #tpu.memory_space<vmem>>
        %dma_start3A_187 = arith.constant 0 : i32
        %dma_start3A_188 = arith.constant 0 : i32
        %dma_start3A_189 = tpu.memref_slice %arg2[%dma_start3A_187, %dma_start3A_188] : memref<1000000x64xf32, #tpu.memory_space<hbm>> -> memref<1000000x64xf32, #tpu.memory_space<hbm>>
        tpu.enqueue_indirect_dma source(%dma_start3A_189 : memref<1000000x64xf32, #tpu.memory_space<hbm>>) target(%dma_start3A_183 : memref<128x64xf32, #tpu.memory_space<vmem>>) offsets(%dma_start3A_186 : memref<128xi32, #tpu.memory_space<vmem>>) semaphore(%arg11 : memref<!tpu.dma_semaphore, #tpu.memory_space<semaphore_mem>>)
      } else {
      }
      %mul3A_113 = arith.constant 2 : i32
      %mul3A_114 = arith.muli %mul3A_113, %scan3A_67 : i32
      %add3A_115 = arith.constant 1 : i32
      %add3A_116 = arith.addi %mul3A_114, %add3A_115 : i32
      %dma_wait3A_117 = arith.constant 0 : i32
      %dma_wait3A_118 = arith.constant 0 : i32
      %dma_wait3A_119 = tpu.memref_slice %arg8[%dma_wait3A_117, %dma_wait3A_118] : memref<256x64xf32, #tpu.memory_space<vmem>> -> memref<128x64xf32, #tpu.memory_space<vmem>>
      %dma_wait3A_120 = arith.constant 0 : i32
      %dma_wait3A_121 = arith.constant 0 : i32
      %dma_wait3A_122 = tpu.memref_slice %arg2[%dma_wait3A_120, %dma_wait3A_121] : memref<1000000x64xf32, #tpu.memory_space<hbm>> -> memref<128x64xf32, #tpu.memory_space<hbm>>
      %dma_wait3A_123 = arith.constant 0 : i32
      %dma_wait3A_124 = arith.constant 0 : i32
      %dma_wait3A_125 = tpu.memref_slice %arg8[%dma_wait3A_123, %dma_wait3A_124] : memref<256x64xf32, #tpu.memory_space<vmem>> -> memref<128x64xf32, #tpu.memory_space<vmem>>
      %dma_wait3A_126 = arith.constant 0 : i32
      %dma_wait3A_127 = arith.constant 0 : i32
      %dma_wait3A_128 = tpu.memref_slice %arg2[%dma_wait3A_126, %dma_wait3A_127] : memref<1000000x64xf32, #tpu.memory_space<hbm>> -> memref<128x64xf32, #tpu.memory_space<hbm>>
      tpu.wait_dma2 semaphore(%arg12 : memref<!tpu.dma_semaphore, #tpu.memory_space<semaphore_mem>>) src(%dma_wait3A_128 : memref<128x64xf32, #tpu.memory_space<hbm>>) dst(%dma_wait3A_125 : memref<128x64xf32, #tpu.memory_space<vmem>>)
      %dma_wait3A_129 = arith.constant 128 : i32
      %dma_wait3A_130 = arith.constant 0 : i32
      %dma_wait3A_131 = tpu.memref_slice %arg8[%dma_wait3A_129, %dma_wait3A_130] : memref<256x64xf32, #tpu.memory_space<vmem>> -> memref<128x64xf32, #tpu.memory_space<vmem>>
      %dma_wait3A_132 = arith.constant 0 : i32
      %dma_wait3A_133 = arith.constant 0 : i32
      %dma_wait3A_134 = tpu.memref_slice %arg2[%dma_wait3A_132, %dma_wait3A_133] : memref<1000000x64xf32, #tpu.memory_space<hbm>> -> memref<128x64xf32, #tpu.memory_space<hbm>>
      %dma_wait3A_135 = arith.constant 128 : i32
      %dma_wait3A_136 = arith.constant 0 : i32
      %dma_wait3A_137 = tpu.memref_slice %arg8[%dma_wait3A_135, %dma_wait3A_136] : memref<256x64xf32, #tpu.memory_space<vmem>> -> memref<128x64xf32, #tpu.memory_space<vmem>>
      %dma_wait3A_138 = arith.constant 0 : i32
      %dma_wait3A_139 = arith.constant 0 : i32
      %dma_wait3A_140 = tpu.memref_slice %arg2[%dma_wait3A_138, %dma_wait3A_139] : memref<1000000x64xf32, #tpu.memory_space<hbm>> -> memref<128x64xf32, #tpu.memory_space<hbm>>
      tpu.wait_dma2 semaphore(%arg12 : memref<!tpu.dma_semaphore, #tpu.memory_space<semaphore_mem>>) src(%dma_wait3A_140 : memref<128x64xf32, #tpu.memory_space<hbm>>) dst(%dma_wait3A_137 : memref<128x64xf32, #tpu.memory_space<vmem>>)
      %gt3A_141 = arith.constant 0 : i32
      %gt3A_142 = arith.cmpi sgt, %scan3A_67, %gt3A_141 : i32
      %convert_element_type3A_143 = arith.extui %gt3A_142 : i1 to i32
      %cond3A_144 = arith.constant 0 : i32
      %cond3A_145 = arith.cmpi ne, %convert_element_type3A_143, %cond3A_144 : i32
      scf.if %cond3A_145 {
        %dma_wait3A_163 = arith.constant 0 : i32
        %dma_wait3A_164 = arith.constant 0 : i32
        %dma_wait3A_165 = tpu.memref_slice %arg4[%dma_wait3A_163, %dma_wait3A_164] : memref<819200x64xbf16, #tpu.memory_space<hbm>> -> memref<256x64xbf16, #tpu.memory_space<hbm>>
        %dma_wait3A_166 = arith.constant 0 : i32
        %dma_wait3A_167 = arith.constant 0 : i32
        %dma_wait3A_168 = tpu.memref_slice %arg4[%dma_wait3A_166, %dma_wait3A_167] : memref<819200x64xbf16, #tpu.memory_space<hbm>> -> memref<256x64xbf16, #tpu.memory_space<hbm>>
        tpu.wait_dma2 semaphore(%arg14 : memref<!tpu.dma_semaphore, #tpu.memory_space<semaphore_mem>>) src(%dma_wait3A_168 : memref<256x64xbf16, #tpu.memory_space<hbm>>) dst(%arg10 : memref<256x64xbf16, #tpu.memory_space<vmem>>)
      } else {
      }
      %parallel_loop3A_146 = arith.constant 0 : i32
      %parallel_loop3A_147 = arith.constant 256 : i32
      %parallel_loop3A_148 = arith.constant 1 : i32
      scf.for %parallel_loop3A_163 = %parallel_loop3A_146 to %parallel_loop3A_147 step %parallel_loop3A_148  : i32 {
        %parallel_loop3A_164 = vector.broadcast %parallel_loop3A_163 : i32 to vector<16xi32>
        %parallel_loop3A_165 = arith.constant 0 : i32
        %parallel_loop3A_166 = vector.broadcast %parallel_loop3A_165 : i32 to vector<16xi32>
        %parallel_loop3A_167 = arith.addi %mul3A_3, %parallel_loop3A_166 : vector<16xi32>
        %parallel_loop3A_168 = tpu.vector_load_idx %arg8[%parallel_loop3A_164, %parallel_loop3A_167] : memref<256x64xf32, #tpu.memory_space<vmem>>[vector<16xi32>, vector<16xi32>], vector<16xf32>,
        %parallel_loop3A_169 = arith.constant 1 : i32
        %parallel_loop3A_170 = vector.broadcast %parallel_loop3A_169 : i32 to vector<16xi32>
        %parallel_loop3A_171 = arith.addi %parallel_loop3A_167, %parallel_loop3A_170 : vector<16xi32>
        %parallel_loop3A_172 = tpu.vector_load_idx %arg8[%parallel_loop3A_164, %parallel_loop3A_171] : memref<256x64xf32, #tpu.memory_space<vmem>>[vector<16xi32>, vector<16xi32>], vector<16xf32>,
        %parallel_loop3A_173 = arith.constant 8.000000e+00 : f32
        %parallel_loop3A_174 = vector.broadcast %parallel_loop3A_173 : f32 to vector<16xf32>
        %parallel_loop3A_175 = arith.mulf %parallel_loop3A_168, %parallel_loop3A_174 : vector<16xf32>
        %parallel_loop3A_176 = arith.constant 8.000000e+00 : f32
        %parallel_loop3A_177 = vector.broadcast %parallel_loop3A_176 : f32 to vector<16xf32>
        %parallel_loop3A_178 = arith.mulf %parallel_loop3A_172, %parallel_loop3A_177 : vector<16xf32>
        %parallel_loop3A_179 = tpu.pack_subelements %parallel_loop3A_175, %parallel_loop3A_178 {pack_format = #tpu.pack_format<interleaved>, positions = array<i32: 0, 1>} : vector<16xf32>, vector<16xf32> -> vector<32xbf16>
        %parallel_loop3A_180 = arith.index_cast %parallel_loop3A_163 : i32 to index
        %parallel_loop3A_181 = arith.constant 0 : index
        %parallel_loop3A_182 = tpu.vector_load %arg10[%parallel_loop3A_180, %parallel_loop3A_181] {strides = array<i32>} : memref<256x64xbf16, #tpu.memory_space<vmem>>, vector<32xbf16>,
        tpu.vector_store %arg10[%parallel_loop3A_180, %parallel_loop3A_181], %parallel_loop3A_179 {strides = array<i32>} : memref<256x64xbf16, #tpu.memory_space<vmem>>, vector<32xbf16>,
        %parallel_loop3A_183 = arith.constant 32 : i32
        %parallel_loop3A_184 = vector.broadcast %parallel_loop3A_183 : i32 to vector<16xi32>
        %parallel_loop3A_185 = arith.addi %mul3A_3, %parallel_loop3A_184 : vector<16xi32>
        %parallel_loop3A_186 = tpu.vector_load_idx %arg8[%parallel_loop3A_164, %parallel_loop3A_185] : memref<256x64xf32, #tpu.memory_space<vmem>>[vector<16xi32>, vector<16xi32>], vector<16xf32>,
        %parallel_loop3A_187 = arith.constant 1 : i32
        %parallel_loop3A_188 = vector.broadcast %parallel_loop3A_187 : i32 to vector<16xi32>
        %parallel_loop3A_189 = arith.addi %parallel_loop3A_185, %parallel_loop3A_188 : vector<16xi32>
        %parallel_loop3A_190 = tpu.vector_load_idx %arg8[%parallel_loop3A_164, %parallel_loop3A_189] : memref<256x64xf32, #tpu.memory_space<vmem>>[vector<16xi32>, vector<16xi32>], vector<16xf32>,
        %parallel_loop3A_191 = arith.constant 8.000000e+00 : f32
        %parallel_loop3A_192 = vector.broadcast %parallel_loop3A_191 : f32 to vector<16xf32>
        %parallel_loop3A_193 = arith.mulf %parallel_loop3A_186, %parallel_loop3A_192 : vector<16xf32>
        %parallel_loop3A_194 = arith.constant 8.000000e+00 : f32
        %parallel_loop3A_195 = vector.broadcast %parallel_loop3A_194 : f32 to vector<16xf32>
        %parallel_loop3A_196 = arith.mulf %parallel_loop3A_190, %parallel_loop3A_195 : vector<16xf32>
        %parallel_loop3A_197 = tpu.pack_subelements %parallel_loop3A_193, %parallel_loop3A_196 {pack_format = #tpu.pack_format<interleaved>, positions = array<i32: 0, 1>} : vector<16xf32>, vector<16xf32> -> vector<32xbf16>
        %parallel_loop3A_198 = arith.index_cast %parallel_loop3A_163 : i32 to index
        %parallel_loop3A_199 = arith.constant 32 : index
        %parallel_loop3A_200 = tpu.vector_load %arg10[%parallel_loop3A_198, %parallel_loop3A_199] {strides = array<i32>} : memref<256x64xbf16, #tpu.memory_space<vmem>>, vector<32xbf16>,
        tpu.vector_store %arg10[%parallel_loop3A_198, %parallel_loop3A_199], %parallel_loop3A_197 {strides = array<i32>} : memref<256x64xbf16, #tpu.memory_space<vmem>>, vector<32xbf16>,
      } {sc.loop_unroll_factor = 8 : i64, sc.parallel_access}
      %mul3A_149 = arith.constant 25600 : i32
      %mul3A_150 = arith.muli %add3A, %mul3A_149 : i32
      %mul3A_151 = arith.constant 256 : i32
      %mul3A_152 = arith.muli %add3A_116, %mul3A_151 : i32
      %add3A_153 = arith.addi %mul3A_150, %mul3A_152 : i32
      %dma_start3A_154 = arith.constant 0 : i32
      %dma_start3A_155 = tpu.memref_slice %arg4[%add3A_153, %dma_start3A_154] : memref<819200x64xbf16, #tpu.memory_space<hbm>> -> memref<256x64xbf16, #tpu.memory_space<hbm>>
      %dma_start3A_156 = arith.constant 0 : i32
      %dma_start3A_157 = tpu.memref_slice %arg4[%add3A_153, %dma_start3A_156] : memref<819200x64xbf16, #tpu.memory_space<hbm>> -> memref<256x64xbf16, #tpu.memory_space<hbm>>
      tpu.enqueue_dma source(%arg10 : memref<256x64xbf16, #tpu.memory_space<vmem>>) target(%dma_start3A_157 : memref<256x64xbf16, #tpu.memory_space<hbm>>) target_semaphore(%arg14 : memref<!tpu.dma_semaphore, #tpu.memory_space<semaphore_mem>>)
      %lt3A_158 = arith.constant 49 : i32
      %lt3A_159 = arith.cmpi slt, %scan3A_67, %lt3A_158 : i32
      %convert_element_type3A_160 = arith.extui %lt3A_159 : i1 to i32
      %cond3A_161 = arith.constant 0 : i32
      %cond3A_162 = arith.cmpi ne, %convert_element_type3A_160, %cond3A_161 : i32
      scf.if %cond3A_162 {
        %add3A_163 = arith.constant 2 : i32
        %add3A_164 = arith.addi %add3A_116, %add3A_163 : i32
        %mul3A_165 = arith.constant 200 : i32
        %mul3A_166 = arith.muli %add3A, %mul3A_165 : i32
        %mul3A_167 = arith.constant 2 : i32
        %mul3A_168 = arith.muli %add3A_164, %mul3A_167 : i32
        %add3A_169 = arith.addi %mul3A_166, %mul3A_168 : i32
        "tpu.region"() ({
          %run_scoped3A = tpu.sem_alloc : memref<!tpu.dma_semaphore, #tpu.memory_space<semaphore_mem>>
          %dma_start3A_190 = arith.constant 0 : i32
          %dma_start3A_191 = tpu.memref_slice %arg3[%add3A_169, %dma_start3A_190] : memref<6400x128xi32, #tpu.memory_space<hbm>> -> memref<2x128xi32, #tpu.memory_space<hbm>>
          %dma_start3A_192 = arith.constant 0 : i32
          %dma_start3A_193 = tpu.memref_slice %arg3[%add3A_169, %dma_start3A_192] : memref<6400x128xi32, #tpu.memory_space<hbm>> -> memref<2x128xi32, #tpu.memory_space<hbm>>
          tpu.enqueue_dma source(%dma_start3A_193 : memref<2x128xi32, #tpu.memory_space<hbm>>) target(%arg6 : memref<2x128xi32, #tpu.memory_space<vmem>>) target_semaphore(%run_scoped3A : memref<!tpu.dma_semaphore, #tpu.memory_space<semaphore_mem>>)
          %dma_wait3A_194 = arith.constant 0 : i32
          %dma_wait3A_195 = tpu.memref_slice %arg3[%add3A_169, %dma_wait3A_194] : memref<6400x128xi32, #tpu.memory_space<hbm>> -> memref<2x128xi32, #tpu.memory_space<hbm>>
          %dma_wait3A_196 = arith.constant 0 : i32
          %dma_wait3A_197 = tpu.memref_slice %arg3[%add3A_169, %dma_wait3A_196] : memref<6400x128xi32, #tpu.memory_space<hbm>> -> memref<2x128xi32, #tpu.memory_space<hbm>>
          tpu.wait_dma2 semaphore(%run_scoped3A : memref<!tpu.dma_semaphore, #tpu.memory_space<semaphore_mem>>) src(%dma_wait3A_197 : memref<2x128xi32, #tpu.memory_space<hbm>>) dst(%arg6 : memref<2x128xi32, #tpu.memory_space<vmem>>)
          tpu.yield
        }) : () -> ()
        %dma_start3A_170 = arith.constant 0 : i32
        %dma_start3A_171 = arith.constant 0 : i32
        %dma_start3A_172 = arith.constant 0 : i32
        %dma_start3A_173 = tpu.memref_slice %arg8[%dma_start3A_171, %dma_start3A_172] : memref<256x64xf32, #tpu.memory_space<vmem>> -> memref<128x64xf32, #tpu.memory_space<vmem>>
        %dma_start3A_174 = arith.constant 0 : i32
        %dma_start3A_175 = tpu.memref_slice %arg6[%dma_start3A_170, %dma_start3A_174] : memref<2x128xi32, #tpu.memory_space<vmem>> -> memref<1x128xi32, #tpu.memory_space<vmem>>
        %dma_start3A_176 = tpu.memref_squeeze %dma_start3A_175 : memref<1x128xi32, #tpu.memory_space<vmem>> -> memref<128xi32, #tpu.memory_space<vmem>>
        %dma_start3A_177 = arith.constant 0 : i32
        %dma_start3A_178 = arith.constant 0 : i32
        %dma_start3A_179 = tpu.memref_slice %arg2[%dma_start3A_177, %dma_start3A_178] : memref<1000000x64xf32, #tpu.memory_space<hbm>> -> memref<1000000x64xf32, #tpu.memory_space<hbm>>
        tpu.enqueue_indirect_dma source(%dma_start3A_179 : memref<1000000x64xf32, #tpu.memory_space<hbm>>) target(%dma_start3A_173 : memref<128x64xf32, #tpu.memory_space<vmem>>) offsets(%dma_start3A_176 : memref<128xi32, #tpu.memory_space<vmem>>) semaphore(%arg12 : memref<!tpu.dma_semaphore, #tpu.memory_space<semaphore_mem>>)
        %dma_start3A_180 = arith.constant 1 : i32
        %dma_start3A_181 = arith.constant 128 : i32
        %dma_start3A_182 = arith.constant 0 : i32
        %dma_start3A_183 = tpu.memref_slice %arg8[%dma_start3A_181, %dma_start3A_182] : memref<256x64xf32, #tpu.memory_space<vmem>> -> memref<128x64xf32, #tpu.memory_space<vmem>>
        %dma_start3A_184 = arith.constant 0 : i32
        %dma_start3A_185 = tpu.memref_slice %arg6[%dma_start3A_180, %dma_start3A_184] : memref<2x128xi32, #tpu.memory_space<vmem>> -> memref<1x128xi32, #tpu.memory_space<vmem>>
        %dma_start3A_186 = tpu.memref_squeeze %dma_start3A_185 : memref<1x128xi32, #tpu.memory_space<vmem>> -> memref<128xi32, #tpu.memory_space<vmem>>
        %dma_start3A_187 = arith.constant 0 : i32
        %dma_start3A_188 = arith.constant 0 : i32
        %dma_start3A_189 = tpu.memref_slice %arg2[%dma_start3A_187, %dma_start3A_188] : memref<1000000x64xf32, #tpu.memory_space<hbm>> -> memref<1000000x64xf32, #tpu.memory_space<hbm>>
        tpu.enqueue_indirect_dma source(%dma_start3A_189 : memref<1000000x64xf32, #tpu.memory_space<hbm>>) target(%dma_start3A_183 : memref<128x64xf32, #tpu.memory_space<vmem>>) offsets(%dma_start3A_186 : memref<128xi32, #tpu.memory_space<vmem>>) semaphore(%arg12 : memref<!tpu.dma_semaphore, #tpu.memory_space<semaphore_mem>>)
      } else {
      }
    }
    %scan3A_55 = arith.constant 50 : i32
    %dma_wait3A = arith.constant 0 : i32
    %dma_wait3A_56 = arith.constant 0 : i32
    %dma_wait3A_57 = tpu.memref_slice %arg4[%dma_wait3A, %dma_wait3A_56] : memref<819200x64xbf16, #tpu.memory_space<hbm>> -> memref<256x64xbf16, #tpu.memory_space<hbm>>
    %dma_wait3A_58 = arith.constant 0 : i32
    %dma_wait3A_59 = arith.constant 0 : i32
    %dma_wait3A_60 = tpu.memref_slice %arg4[%dma_wait3A_58, %dma_wait3A_59] : memref<819200x64xbf16, #tpu.memory_space<hbm>> -> memref<256x64xbf16, #tpu.memory_space<hbm>>
    tpu.wait_dma2 semaphore(%arg13 : memref<!tpu.dma_semaphore, #tpu.memory_space<semaphore_mem>>) src(%dma_wait3A_60 : memref<256x64xbf16, #tpu.memory_space<hbm>>) dst(%arg9 : memref<256x64xbf16, #tpu.memory_space<vmem>>)
    %dma_wait3A_61 = arith.constant 0 : i32
    %dma_wait3A_62 = arith.constant 0 : i32
    %dma_wait3A_63 = tpu.memref_slice %arg4[%dma_wait3A_61, %dma_wait3A_62] : memref<819200x64xbf16, #tpu.memory_space<hbm>> -> memref<256x64xbf16, #tpu.memory_space<hbm>>
    %dma_wait3A_64 = arith.constant 0 : i32
    %dma_wait3A_65 = arith.constant 0 : i32
    %dma_wait3A_66 = tpu.memref_slice %arg4[%dma_wait3A_64, %dma_wait3A_65] : memref<819200x64xbf16, #tpu.memory_space<hbm>> -> memref<256x64xbf16, #tpu.memory_space<hbm>>
    tpu.wait_dma2 semaphore(%arg14 : memref<!tpu.dma_semaphore, #tpu.memory_space<semaphore_mem>>) src(%dma_wait3A_66 : memref<256x64xbf16, #tpu.memory_space<hbm>>) dst(%arg10 : memref<256x64xbf16, #tpu.memory_space<vmem>>)
    return
  }
}

</mosaic_0001>

<sc_bundles>
// kernel: kernel.3.cloned.1.call-start
scs
__scs_entry_jumppad:
0x0: {  	(pc) =	sbr.rel $0x88, $3  }
0x1: {  	(tag) =	ssettag $0x0;
	lr =	simm.s32 $0x1  }
0x2: {  	[smem:$0x3F9F] =	sst lr;
	_ =	strace $0xD0000000  }
0x3: {  	_ = 	snop  }
0x4: {  	_ = 	snop  }
0x5: {  	_ = 	snop  }
0x6: {  	_ = 	snop  }
0x7: {  	_ = 	snop  }
__scs_overlays_trampoline_lowered:
0x8: {  	[smem:$0x3FAE] =	sst s0  }
0x9: {  	[smem:$0x3FAF] =	sst s1  }
0xa: {  	[smem:$0x3FB0] =	sst s2  }
0xb: {  	[smem:$0x3FB1] =	sst s3  }
0xc: {  	[smem:$0x3FB2] =	sst s4  }
0xd: {  	[smem:$0x3FB3] =	sst s5  }
0xe: {  	[smem:$0x3FB4] =	sst s6  }
0xf: {  	[smem:$0x3FB5] =	sst s7  }
0x10: {  	[smem:$0x3FB6] =	sst s8  }
0x11: {  	[smem:$0x3FB7] =	sst s9;
	s0 =	simm.s32 @!p0 $0x0  }
0x12: {  	s1 =	sld [smem:$0x3F9D];
	s0 =	simm.s32 @p0 $0x1  }
0x13: {  	[smem:$0x3FB8] =	sst s0;
	s0 =	simm.s32 @!p1 $0x0  }
0x14: {  	s2 =	sld [smem:$0x3F9C];
	s0 =	simm.s32 @p1 $0x1  }
0x15: {  	[smem:$0x3FB9] =	sst s0;
	s0 =	simm.s32 @!p2 $0x0  }
0x16: {  	s3 =	sld [smem:$0x3FDB];
	s0 =	simm.s32 @p2 $0x1  }
0x17: {  	s4 =	simm.s32 $0x1BF5;
	[smem:$0x3FBB] =	sst s0  }
0x18: {  	s0 =	sld [smem:$0x3F9E];
	_ =	swait.ge [sflag:s4], $0x0  }
0x19: {  	s7 =	sld [smem:$0x3F9F]  }
0x1a: {  	s8 =	sadd.s32 $0xFFFFE003, lr  }
0x1b: {  	s9 =	sadd.s32 $0xFFFFFEF7, lr;
	s5 =	simm.s32 $0xFFFFFFFF;
	p2 =	slt.u32 s8, $0xFFFFF086  }
0x1c: {  	p1 =	slt.u32 s9, $0xF7A;
	s5 =	simm.s32 @!p2 $0x0  }
0x1d: {  	s5 =	simm.s32 @p1 $0x1;
	p0 =	seq.s32 s7, s2  }
0x1e: {  	s7 =	smul.u32 @!p0 $0xF7A, s2;
	p2 =	seq.s32 @!p0 s5, $0x0  }
0x1f: {  	s9 =	smul.u32 $0xF7A, s1;
	s8 =	simm.s32 @!p0 $0x1BF5;
	p2 =	por !p2, p0  }
0x20: {  	[sflag:s8] =	ssyncset.s32 @!p0 $0xFFFFF086;
	s6 =	sadd.s32 @!p0 s3, s7;
	s7 =	simm.s32 @!p0 $0x108  }
0x21: {  	s3 =	sadd.s32 s3, s9;
	s6 =	sadd.s32 @!p0 $0x88, s6;
	s7 =	simm.s32 @p2 $0x1082  }
0x22: {  	[simem:s7], [sflag:s8] =	dma.local @!p0 [hbm:s6], $0xF7A  }
0x23: {  	s9 =	sor.u32 $0xD0000000, s2;
	s6 =	simm.s32 $0x108;
	_ =	swait.ge @!p0 [sflag:s8], $0x0  }
0x24: {  	s3 =	sadd.s32 $0x88, s3;
	s6 =	simm.s32 @!p1 $0x1082;
	[sflag:s4] =	ssyncset.s32 $0xFFFFF086  }
0x25: {  	[simem:s6], [sflag:s4] =	dma.local [hbm:s3], $0xF7A  }
0x26: {  	[smem:$0x3F9F] =	sst s1;
	(tag) =	ssettag s2;
	_ =	strace s9  }
0x27: {  	s1 =	sld [smem:$0x3FAF]  }
0x28: {  	s2 =	sld [smem:$0x3FB0]  }
0x29: {  	s4 =	sld [smem:$0x3FB2]  }
0x2a: {  	p0 =	seq.s32 s5, $0x0;
	s5 =	sld [smem:$0x3FB3]  }
0x2b: {  	s6 =	sld [smem:$0x3FB4]  }
0x2c: {  	s7 =	sld [smem:$0x3FB5]  }
0x2d: {  	s3 =	simm.s32 $0x108;
	s8 =	sld [smem:$0x3FB6]  }
0x2e: {  	s3 =	simm.s32 @!p0 $0x1082;
	s9 =	sld [smem:$0x3FB7]  }
0x2f: {  	lr =	sadd.s32 s0, s3;
	s0 =	sld [smem:$0x3FAE]  }
0x30: {  	s3 =	sld [smem:$0x3FB1]  }
0x31: {  	[smem:$0x3FBA] =	sst s10  }
0x32: {  	s10 =	sld [smem:$0x3FB8];
	_ =	sdelay $0x3  }
0x33: {  	p0 =	seq.s32 s10, $0x1;
	s10 =	sld [smem:$0x3FBA];
	_ =	sdelay $0x3  }
0x34: {  	[smem:$0x3FBA] =	sst s10  }
0x35: {  	s10 =	sld [smem:$0x3FB9];
	_ =	sdelay $0x3  }
0x36: {  	p1 =	seq.s32 s10, $0x1;
	s10 =	sld [smem:$0x3FBA];
	_ =	sdelay $0x3  }
0x37: {  	[smem:$0x3FBA] =	sst s10  }
0x38: {  	s10 =	sld [smem:$0x3FBB]  }
0x39: {  	_ = 	snop;
	(pc) =	sbr.ind lr, $3  }
0x3a: {  	_ = 	snop  }
0x3b: {  	_ = 	snop  }
0x3c: {  	p2 =	seq.s32 s10, $0x1;
	s10 =	sld [smem:$0x3FBA]  }
0x3d: {  	_ =	shalt  }
0x3e: {  	_ =	shalt  }
0x3f: {  	_ =	shalt  }
0x40: {  	_ =	shalt  }
0x41: {  	_ =	shalt  }
0x42: {  	_ =	shalt  }
0x43: {  	_ =	shalt  }
0x44: {  	_ =	shalt  }
0x45: {  	_ =	shalt  }
0x46: {  	_ =	shalt  }
0x47: {  	_ =	shalt  }
0x48: {  	_ =	shalt  }
0x49: {  	_ =	shalt  }
0x4a: {  	_ =	shalt  }
0x4b: {  	_ =	shalt  }
0x4c: {  	_ =	shalt  }
0x4d: {  	_ =	shalt  }
0x4e: {  	_ =	shalt  }
0x4f: {  	_ =	shalt  }
0x50: {  	_ =	shalt  }
0x51: {  	_ =	shalt  }
0x52: {  	_ =	shalt  }
0x53: {  	_ =	shalt  }
0x54: {  	_ =	shalt  }
0x55: {  	_ =	shalt  }
0x56: {  	_ =	shalt  }
0x57: {  	_ =	shalt  }
0x58: {  	_ =	shalt  }
0x59: {  	_ =	shalt  }
0x5a: {  	_ =	shalt  }
0x5b: {  	_ =	shalt  }
0x5c: {  	_ =	shalt  }
0x5d: {  	_ =	shalt  }
0x5e: {  	_ =	shalt  }
0x5f: {  	_ =	shalt  }
0x60: {  	_ =	shalt  }
0x61: {  	_ =	shalt  }
0x62: {  	_ =	shalt  }
0x63: {  	_ =	shalt  }
0x64: {  	_ =	shalt  }
0x65: {  	_ =	shalt  }
0x66: {  	_ =	shalt  }
0x67: {  	_ =	shalt  }
0x68: {  	_ =	shalt  }
0x69: {  	_ =	shalt  }
0x6a: {  	_ =	shalt  }
0x6b: {  	_ =	shalt  }
0x6c: {  	_ =	shalt  }
0x6d: {  	_ =	shalt  }
0x6e: {  	_ =	shalt  }
0x6f: {  	_ =	shalt  }
0x70: {  	_ =	shalt  }
0x71: {  	_ =	shalt  }
0x72: {  	_ =	shalt  }
0x73: {  	_ =	shalt  }
0x74: {  	_ =	shalt  }
0x75: {  	_ =	shalt  }
0x76: {  	_ =	shalt  }
0x77: {  	_ =	shalt  }
0x78: {  	_ =	shalt  }
0x79: {  	_ =	shalt  }
0x7a: {  	_ =	shalt  }
0x7b: {  	_ =	shalt  }
0x7c: {  	_ =	shalt  }
0x7d: {  	_ =	shalt  }
0x7e: {  	_ =	shalt  }
0x7f: {  	_ =	shalt  }
0x80: {  	_ =	shalt  }
0x81: {  	_ =	shalt  }
0x82: {  	_ =	shalt  }
0x83: {  	_ =	shalt  }
0x84: {  	_ =	shalt  }
0x85: {  	_ =	shalt  }
0x86: {  	_ =	shalt  }
0x87: {  	_ =	shalt  }
.Lfunc_end0:
.L_simem_size_0:
called_computation.1_lowered:
.L_overlay_start_0:
0x88: {  	s2 =	sld [smem:$0x3FD9]  }
0x89: {  	s3 =	sld [smem:$0x3FFE];
	_ =	sdelay $0x1  }
0x8a: {  	s1 =	srdreg.scid  }
0x8b: {  	s0 =	sand.u32 $0x1, s1  }
0x8c: {  	s17 =	sshll.u32 s0, $0xA;
	s2 =	sadd.s32 s3, s2  }
0x8d: {  	s2 =	sadd.s32 s2, s17  }
0x8e: {  	[smem:$0x3FC6] =	sst s2  }
0x8f: {  	_ = 	snop  }
0x90: {  	s2 =	sld [smem:$0x3FD0];
	(tm) =	ssettm $0x1  }
0x91: {  	s18 =	sld [smem:$0x3FFB];
	_ =	sdelay $0x3  }
0x92: {  	_ =	strace s18  }
0x93: {  	s3 =	sld [smem:$0x3FFC];
	_ =	sdelay $0x3  }
0x94: {  	_ =	strace s3  }
0x95: {  	s3 =	sld [smem:$0x3FFD];
	_ =	sdelay $0x3  }
0x96: {  	_ =	strace s3  }
0x97: {  	_ =	strace $0x8FFFFFFF  }
0x98: {  	s19 =	sld [smem:$0x3FDB];
	_ =	sdelay $0x1  }
0x99: {  	s4 =	simm.s32 $_scs_section_size  }
0x9a: {  	s5 =	simm.s32 $_size__tile_overlayer_lowered;
	s6 =	simm.s32 $_tile_overlayer_lowered  }
0x9b: {  	s22 =	simm.s32 $0x1BFF;
	s21 =	sshll.u32 s6, $0x1;
	s3 =	sadd.s32 s4, s19  }
0x9c: {  	s7 =	simm.s32 $0x0;
	s20 =	sshll.u32 s5, $0x1;
	s5 =	sadd.s32 s21, s3  }
0x9d: {  	[timem:s7], [sflag:s22] =	dma.local [hbm:s5], s20  }
0x9e: {  	_ =	swait.ge [sflag:s22], s20  }
0x9f: {  	s4 =	ssub.s32 $0x0, s20;
	[sflag:s22] =	ssyncset.done $0x0  }
0xa0: {  	[sflag:s22] =	ssyncadd.s32 s4;
	_ =	sdelay $0x1  }
0xa1: {  	s23 =	simm.s32 $0x1B8B  }
0xa2: {  	_ =	swait.ge [sflag:s23], $0x1  }
0xa3: {  	[sflag:s23] =	ssyncset.done $0x0  }
0xa4: {  	s25 =	simm.s32 $0x1B8E;
	s24 =	sld [smem:$0x3FFE];
	[sflag:s23] =	ssyncadd.s32 $0xFFFFFFFF  }
0xa5: {  	s26 =	simm.s32 $execute0_lowered;
	[smem:$0x3FD2] =	sst s25  }
0xa6: {  	s5 =	sshll.u32 s26, $0x1;
	_ =	strace $0x80000046;
	[dreg:$0x1] =	wrdreg $0xFFFFFFFF  }
0xa7: {  	s28 =	simm.s32 $_size_execute0_lowered;
	s3 =	sadd.s32 s3, s5;
	[dreg:$0x0] =	wrdreg $0x0  }
0xa8: {  	s5 =	sshll.u32 s28, $0x1;
	[dreg:$0x2] =	wrdreg s3  }
0xa9: {  	[dreg:$0x3] =	wrdreg s5  }
0xaa: {  	[dreg:$0x4] =	wrdreg $0xC0  }
0xab: {  	_ =	task [dreg:s7], $0x5FFFF  }
0xac: {  	[dreg:$0x1] =	wrdreg $0xFFFFFFFF  }
0xad: {  	[dreg:$0x0] =	wrdreg $0x60  }
0xae: {  	[dreg:$0x2] =	wrdreg s24  }
0xaf: {  	[dreg:$0x3] =	wrdreg s2  }
0xb0: {  	[dreg:$0x4] =	wrdreg $0x9  }
0xb1: {  	_ =	task.clear_ibuf [dreg:s7], $0x5FFFF;
	_ =	strace $0x90000046  }
0xb2: {  	s29 =	simm.s32 $0x9;
	_ =	strace $0x80000048  }
0xb3: {  	_ =	swait.ge [sflag:s29], $0x1  }
0xb4: {  	[sflag:s29] =	ssyncadd.s32 $0xFFFFFFFF  }
0xb5: {  	_ =	strace $0x90000048  }
0xb6: {  	_ =	sfence  }
0xb7: {  	s30 =	sld [smem:$0x0];
	_ =	sdelay $0x2  }
0xb8: {  	s31 =	sshll.u32 s1, $0xD;
	s1 =	sshrl.u32 s1, $0x2  }
0xb9: {  	s3 =	sand.u32 $0x4000, s31;
	s1 =	sadd.s32 s1, s30  }
0xba: {  	s0 =	sor.u32 s3, s0;
	s1 =	sshll.u32 s1, $0x11  }
0xbb: {  	s0 =	sor.u32 s1, s0  }
0xbc: {  	s0 =	sadd.s32 $0x8F2B, s0  }
0xbd: {  	[sflag:s0] =	ssyncadd.remote.s32 $0x1  }
0xbe: {  	_ =	sfence.sel $0xFFFF  }
0xbf: {  	[dreg:$0x0] =	wrdreg $0xFFFFFFFF;
	(pc) =	sbr.abs _section_cstart, $3  }
0xc0: {  	[dreg:$0x1] =	wrdreg $0xFFFFFFFF  }
0xc1: {  	_ =	task.clear_ibuf [dreg:s7], $0x2FFFF;
	_ =	strace $0x9FFFFFFF  }
0xc2: {  	(tm) =	ssettm $0x7FFFFFFF  }
0xc3: {  	_ =	shalt  }
tec
execute0_lowered:
.L_overlay_start_1:
0x0: {  	(tag) =	ssettag $0x1  }
0x1: {  	s0 =	rddreg [dreg:$0x0]  }
0x2: {  	s2 =	rddreg [dreg:$0x1]  }
0x3: {  	s1 =	srdreg.scid;
	s4 =	stileid.u32;
	s3 =	simm.s32 $0x0  }
0x4: {  	s13 =	simm.s32 $0x5;
	s14 =	simm.s32 $0x80;
	s15 =	simm.s32 $0x200  }
0x5: {  	s17 =	simm.s32 $0x100;
	s1 =	sand.u32 $0x1, s1;
	s4 =	sshll.u32 s4, $0x1  }
0x6: {  	s18 =	simm.s32 $0x4200;
	s20 =	simm.s32 $0x6200;
	s5 =	sor.u32 s1, s4  }
0x7: {  	s21 =	simm.s32 $0x1;
	s22 =	simm.s32 $0x8200;
	s6 =	smul.u32 $0xC80, s5  }
0x8: {  	s23 =	simm.s32 $0x2;
	s1 =	ssub.s32 $0x2, s1;
	s7 =	smul.u32 $0xC8, s5  }
0x9: {  	[smem:$0x7FF] =	sst s3;
	s8 =	sshrl.u32 s1, $0x1;
	s10 =	smul.u32 $0x19000, s5  }
0xa: {  	_ =	strace $0x80000047;
	s29 =	ssub.s32 s1, s8;
	s8 =	smul.u32 $0x190000, s5  }
.Ltmp0:
0xb: {  	s24 =	simm.s32 $0xA200;
	s4 =	sadd.s32 $0xF42E00, s0;
	(pc) =	sbr.rel .LBB2_1-.Ltmp0, $4  }
0xc: {  	v0 =	vlaneseq.u32;
	s5 =	simm.s32 $0x0;
	s9 =	sadd.s32 s2, s6;
	s6 =	sadd.s32 $0xA00, s0  }
0xd: {  	v0 =	vmul.u32 $0x2, v0;
	s0 =	smax.u32 s29, $0x1;
	[dreg:$0x3] =	wrdreg s9;
	s30 =	sadd.s32 $0x20, s9  }
0xe: {  	s9 =	sor.u32 $0x4, s7;
	s31 =	sadd.s32 s10, s6;
	[dreg:$0x5] =	wrdreg s0  }
0xf: {  	v1 =	vor.u32 $0x1, v0;
	v2 =	vor.u32 $0x20, v0;
	v3 =	vor.u32 $0x21, v0;
	s10 =	sor.u32 $0x6, s7;
	[dreg:$0x4] =	wrdreg s30;
	s12 =	sadd.s32 $0x400, s31  }
.LBB2_8:
0x10: {  	s0 =	simm.s32 $0x3  }
0x11: {  	_ =	swait.ge [sflag:s0], $0x2000  }
0x12: {  	[sflag:s0] =	ssyncset.done $0x0  }
0x13: {  	s1 =	simm.s32 $0x4;
	[sflag:s0] =	ssyncadd.s32 $0xFFFFE000  }
0x14: {  	_ =	swait.ge [sflag:s1], $0x2000  }
0x15: {  	s5 =	rddreg [dreg:$0x6]  }
0x16: {  	s31 =	rddreg [dreg:$0x5];
	s5 =	sadd.s32 $0x1, s5  }
0x17: {  	p0 =	sne.s32 s5, s31  }
.Ltmp1:
0x18: {  	_ = 	snop;
	(pc) =	sbr.rel @!p0 .LBB2_9-.Ltmp1, $3  }
0x19: {  	_ =	sdelay $0x1  }
0x1a: {  	[sflag:s1] =	ssyncset.done $0x0  }
0x1b: {  	[sflag:s1] =	ssyncadd.s32 $0xFFFFE000  }
.LBB2_1:
0x1c: {  	[dreg:$0x6] =	wrdreg s5  }
0x1d: {  	s0 =	rddreg [dreg:$0x3]  }
0x1e: {  	[tilespmem:s3], [sflag:$0x5] =	stream.linear.gather [hbm4b:s0+s3], $0x100, $0x38;
	[tilespmem:$0xC200] =	vst v63  }
0x1f: {  	_ =	swait.ge [sflag:s13], $0x100  }
0x20: {  	[sflag:s13] =	ssyncset.done $0x0  }
0x21: {  	[sflag:s13] =	ssyncadd.s32 $0xFFFFFF00  }
0x22: {  	[tilespmem:s15], [sflag:$0x1] =	stream.indirect.gather [hbm4b:s4+s14], $0x40, s3, s14, $0xb8;
	[tilespmem:$0xC200] =	vst v63  }
0x23: {  	s28 =	simm.s32 $0x2200  }
0x24: {  	[tilespmem:s28], [sflag:$0x1] =	stream.indirect.gather [hbm4b:s4+s14], $0x40, s14, s14, $0xb8;
	[tilespmem:$0xC200] =	vst v63  }
0x25: {  	s30 =	rddreg [dreg:$0x4]  }
0x26: {  	[tilespmem:s17], [sflag:$0x5] =	stream.linear.gather [hbm4b:s30+s3], $0x100, $0x38;
	[tilespmem:$0xC200] =	vst v63  }
0x27: {  	_ =	swait.ge [sflag:s13], $0x100  }
0x28: {  	[sflag:s13] =	ssyncset.done $0x0  }
0x29: {  	[sflag:s13] =	ssyncadd.s32 $0xFFFFFF00  }
0x2a: {  	[tilespmem:s18], [sflag:$0x2] =	stream.indirect.gather [hbm4b:s4+s14], $0x40, s17, s14, $0xb8;
	[tilespmem:$0xC200] =	vst v63  }
0x2b: {  	s31 =	simm.s32 $0x180;
	s29 =	simm.s32 $0x0  }
0x2c: {  	[tilespmem:s20], [sflag:$0x2] =	stream.indirect.gather [hbm4b:s4+s14], $0x40, s31, s14, $0xb8;
	[tilespmem:$0xC200] =	vst v63  }
.LBB2_2:
0x2d: {  	_ =	swait.ge [sflag:s21], $0x2000  }
0x2e: {  	[sflag:s21] =	ssyncset.done $0x0  }
0x2f: {  	[sflag:s21] =	ssyncadd.s32 $0xFFFFE000  }
0x30: {  	s0 =	simm.s32 $0x0;
	_ =	swait.ge [sflag:s21], $0x2000  }
0x31: {  	p0 =	seq.s32 s29, $0x0;
	s1 =	simm.s32 $0x1C0;
	v4 =	vor.u32 s0, v0;
	[sflag:s21] =	ssyncset.done $0x0  }
0x32: {  	s5 =	simm.s32 @!p0 $0x3;
	v5 =	vor.u32 s1, v0;
	[sflag:s21] =	ssyncadd.s32 $0xFFFFE000  }
0x33: {  	s7 =	simm.s32 $0x40;
	v6 =	vor.u32 s1, v1;
	_ =	swait.ge @!p0 [sflag:s5], $0x2000  }
0x34: {  	v7 =	vor.u32 s7, v0;
	[sflag:s5] =	ssyncset.done @!p0 $0x0  }
0x35: {  	s26 =	simm.s32 $0x80;
	v8 =	vor.u32 s7, v1;
	[sflag:s5] =	ssyncadd.s32 @!p0 $0xFFFFE000  }
0x36: {  	s11 =	simm.s32 $0xC0;
	v9 =	vor.u32 s26, v0;
	v10 =	vld.idx.msk [tilespmem:v4+s15+$0x0], $0xffff  }
0x37: {  	v11 =	vor.u32 s11, v0;
	v5 =	vld.idx.msk [tilespmem:v5+s15+$0x0], $0xffff  }
0x38: {  	s16 =	simm.s32 $0x100;
	v12 =	vor.u32 s11, v1;
	v6 =	vld.idx.msk [tilespmem:v6+s15+$0x0], $0xffff  }
0x39: {  	v13 =	vor.u32 s16, v0;
	v7 =	vld.idx.msk [tilespmem:v7+s15+$0x0], $0xffff  }
0x3a: {  	s25 =	simm.s32 $0x140;
	v14 =	vor.u32 s16, v1;
	v8 =	vld.idx.msk [tilespmem:v8+s15+$0x0], $0xffff  }
0x3b: {  	v15 =	vor.u32 s25, v0;
	v9 =	vld.idx.msk [tilespmem:v9+s15+$0x0], $0xffff  }
0x3c: {  	v4 =	vor.u32 s26, v1;
	v11 =	vld.idx.msk [tilespmem:v11+s15+$0x0], $0xffff  }
0x3d: {  	s28 =	simm.s32 $0x180;
	v18 =	vor.u32 s25, v1;
	v12 =	vld.idx.msk [tilespmem:v12+s15+$0x0], $0xffff  }
0x3e: {  	v19 =	vor.u32 s28, v0;
	v13 =	vld.idx.msk [tilespmem:v13+s15+$0x0], $0xffff  }
0x3f: {  	v17 =	vor.u32 s1, v3;
	v14 =	vld.idx.msk [tilespmem:v14+s15+$0x0], $0xffff  }
0x40: {  	v22 =	vor.u32 s7, v3;
	v15 =	vld.idx.msk [tilespmem:v15+s15+$0x0], $0xffff;
	v5 =	vmul.f32 $8.000000000e+00, v5;
	v6 =	vmul.f32 $8.000000000e+00, v6  }
0x41: {  	v16 =	vld.idx.msk [tilespmem:v4+s15+$0x0], $0xffff;
	v4 =	vor.u32 s1, v2;
	v7 =	vmul.f32 $8.000000000e+00, v7;
	v8 =	vmul.f32 $8.000000000e+00, v8  }
0x42: {  	s31 =	simm.s32 $0x8280;
	v18 =	vld.idx.msk [tilespmem:v18+s15+$0x0], $0xffff;
	v5 =	vpack.i.f32.bf16 v6, v5;
	v6 =	vor.u32 s28, v1  }
0x43: {  	v21 =	vor.u32 s7, v2;
	v19 =	vld.idx.msk [tilespmem:v19+s15+$0x0], $0xffff;
	v7 =	vpack.i.f32.bf16 v8, v7;
	[tilespmem:s31+$0x60] =	vst v5  }
0x44: {  	v5 =	vor.u32 s0, v1;
	[tilespmem:s31+$0xFFFFFFA0] =	vst v7;
	v17 =	vld.idx.msk [tilespmem:v17+s15+$0x0], $0xffff  }
0x45: {  	v23 =	vor.u32 s26, v2;
	v24 =	vor.u32 s26, v3;
	v25 =	vor.u32 s11, v2;
	v22 =	vld.idx.msk [tilespmem:v22+s15+$0x0], $0xffff  }
0x46: {  	v26 =	vor.u32 s11, v3;
	v9 =	vmul.f32 $8.000000000e+00, v9;
	v20 =	vld.idx.msk [tilespmem:v4+s15+$0x0], $0xffff;
	v8 =	vmul.f32 $8.000000000e+00, v16  }
0x47: {  	v27 =	vor.u32 s16, v2;
	v28 =	vor.u32 s16, v3;
	v15 =	vmul.f32 $8.000000000e+00, v15;
	v6 =	vld.idx.msk [tilespmem:v6+s15+$0x0], $0xffff  }
0x48: {  	v7 =	vmul.f32 $8.000000000e+00, v11;
	v8 =	vpack.i.f32.bf16 v8, v9;
	v9 =	vmul.f32 $8.000000000e+00, v12;
	v12 =	vld.idx.msk [tilespmem:v21+s15+$0x0], $0xffff  }
0x49: {  	v30 =	vor.u32 s25, v3;
	v18 =	vmul.f32 $8.000000000e+00, v18;
	v19 =	vmul.f32 $8.000000000e+00, v19;
	v29 =	vld.idx.msk [tilespmem:v5+s15+$0x0], $0xffff;
	[tilespmem:s31+$0xFFFFFFC0] =	vst v8  }
0x4a: {  	v11 =	vmul.f32 $8.000000000e+00, v14;
	v8 =	vmul.f32 $8.000000000e+00, v13;
	v7 =	vpack.i.f32.bf16 v9, v7;
	v13 =	vld.idx.msk [tilespmem:v23+s15+$0x0], $0xffff  }
0x4b: {  	v10 =	vmul.f32 $8.000000000e+00, v10;
	v15 =	vpack.i.f32.bf16 v18, v15;
	v14 =	vor.u32 s28, v2;
	v9 =	vld.idx.msk [tilespmem:v24+s15+$0x0], $0xffff;
	[tilespmem:s31+$0xFFFFFFE0] =	vst v7  }
0x4c: {  	v4 =	vor.u32 s0, v2;
	v21 =	vor.u32 s25, v2;
	v8 =	vpack.i.f32.bf16 v11, v8;
	v7 =	vld.idx.msk [tilespmem:v25+s15+$0x0], $0xffff  }
0x4d: {  	s16 =	simm.s32 $0x200;
	v16 =	vor.u32 s28, v3;
	v17 =	vmul.f32 $8.000000000e+00, v17;
	v20 =	vmul.f32 $8.000000000e+00, v20;
	[tilespmem:s31+$0x0] =	vst v8;
	v11 =	vld.idx.msk [tilespmem:v26+s15+$0x0], $0xffff  }
0x4e: {  	v5 =	vor.u32 s0, v3;
	v23 =	vor.u32 s16, v0;
	v6 =	vmul.f32 $8.000000000e+00, v6;
	v8 =	vld.idx.msk [tilespmem:v27+s15+$0x0], $0xffff  }
0x4f: {  	s7 =	simm.s32 $0x3C0;
	[tilespmem:s31+$0x20] =	vst v15;
	v20 =	vpack.i.f32.bf16 v17, v20;
	v17 =	vmul.f32 $8.000000000e+00, v12;
	v12 =	vld.idx.msk [tilespmem:v28+s15+$0x0], $0xffff;
	v18 =	vmul.f32 $8.000000000e+00, v29  }
0x50: {  	s5 =	simm.s32 $0x240;
	v24 =	vor.u32 s7, v0;
	[tilespmem:s31+$0x70] =	vst v20;
	v6 =	vpack.i.f32.bf16 v6, v19;
	v15 =	vmul.f32 $8.000000000e+00, v13;
	v13 =	vld.idx.msk [tilespmem:v30+s15+$0x0], $0xffff  }
0x51: {  	s30 =	sshll.u32 s29, $0x2;
	s11 =	simm.s32 $0x300;
	s26 =	simm.s32 $0x2C0;
	v19 =	vmul.f32 $8.000000000e+00, v22;
	v22 =	vor.u32 s5, v0;
	v20 =	vpack.i.f32.bf16 v18, v10;
	v10 =	vld.idx.msk [tilespmem:v21+s15+$0x0], $0xffff;
	[tilespmem:s31+$0x40] =	vst v6  }
0x52: {  	s1 =	simm.s32 $0x10;
	s25 =	simm.s32 $0x280;
	s0 =	simm.s32 $0x8280;
	v6 =	vor.u32 s16, v1;
	v18 =	vor.u32 s16, v2;
	v21 =	vor.u32 s5, v1;
	[tilespmem:s31+$0xFFFFFF80] =	vst v20;
	v14 =	vld.idx.msk [tilespmem:v14+s15+$0x0], $0xffff  }
.LBB2_3:
0x53: {  	p1 =	slt.u32 s1, $0xF8;
	v25 =	vor.u32 s25, v0;
	v26 =	vor.u32 s25, v1;
	s28 =	sadd.s32 $0x140, s16;
	s19 =	sadd.s32 $0x180, s16;
	v20 =	vor.u32 s7, v1;
	v27 =	vld.idx.msk [tilespmem:v16+s15+$0x0], $0xffff  }
0x54: {  	v28 =	vor.u32 s26, v0;
	v29 =	vor.u32 s26, v1;
	v30 =	vor.u32 s11, v0;
	v31 =	vld.idx.msk [tilespmem:v4+s15+$0x0], $0xffff;
	v4 =	vmovc v18  }
0x55: {  	v18 =	vor.u32 s11, v1;
	v32 =	vor.u32 s28, v0;
	v33 =	vor.u32 s28, v1;
	v34 =	vld.idx.msk [tilespmem:v5+s15+$0x0], $0xffff  }
0x56: {  	v35 =	vor.u32 s5, v2;
	v36 =	vor.u32 s19, v0;
	v37 =	vor.u32 s19, v1;
	v23 =	vld.idx.msk [tilespmem:v23+s15+$0x0], $0xffff  }
0x57: {  	v38 =	vor.u32 s5, v3;
	v39 =	vor.u32 s25, v2;
	v40 =	vor.u32 s25, v3;
	v24 =	vld.idx.msk [tilespmem:v24+s15+$0x0], $0xffff  }
0x58: {  	v41 =	vor.u32 s26, v2;
	v42 =	vor.u32 s26, v3;
	v43 =	vor.u32 s11, v2;
	v44 =	vld.idx.msk [tilespmem:v20+s15+$0x0], $0xffff  }
0x59: {  	v45 =	vor.u32 s11, v3;
	v46 =	vor.u32 s28, v2;
	v47 =	vor.u32 s28, v3;
	v22 =	vld.idx.msk [tilespmem:v22+s15+$0x0], $0xffff  }
0x5a: {  	v16 =	vor.u32 s19, v3;
	v5 =	vor.u32 s16, v3;
	v20 =	vor.u32 s19, v2;
	v21 =	vld.idx.msk [tilespmem:v21+s15+$0x0], $0xffff  }
0x5b: {  	v17 =	vpack.i.f32.bf16 v19, v17;
	v9 =	vmul.f32 $8.000000000e+00, v9;
	v7 =	vmul.f32 $8.000000000e+00, v7;
	v25 =	vld.idx.msk [tilespmem:v25+s15+$0x0], $0xffff  }
0x5c: {  	v11 =	vmul.f32 $8.000000000e+00, v11;
	v19 =	vmul.f32 $8.000000000e+00, v23;
	v23 =	vld.idx.msk [tilespmem:v26+s15+$0x0], $0xffff;
	[tilespmem:s31+$0xFFFFFFB0] =	vst v17  }
0x5d: {  	v8 =	vmul.f32 $8.000000000e+00, v8;
	v12 =	vmul.f32 $8.000000000e+00, v12;
	v26 =	vor.u32 s7, v2;
	v17 =	vld.idx.msk [tilespmem:v28+s15+$0x0], $0xffff  }
0x5e: {  	v24 =	vmul.f32 $8.000000000e+00, v24;
	v28 =	vld.idx.msk [tilespmem:v29+s15+$0x0], $0xffff;
	v29 =	vmul.f32 $8.000000000e+00, v44;
	v44 =	vor.u32 s7, v3  }
0x5f: {  	v9 =	vpack.i.f32.bf16 v9, v15;
	v10 =	vmul.f32 $8.000000000e+00, v10;
	v22 =	vmul.f32 $8.000000000e+00, v22;
	v30 =	vld.idx.msk [tilespmem:v30+s15+$0x0], $0xffff  }
0x60: {  	s31 =	sadd.s32 $0x100, s31;
	v15 =	vmul.f32 $8.000000000e+00, v21;
	v18 =	vld.idx.msk [tilespmem:v18+s15+$0x0], $0xffff;
	v21 =	vpack.i.f32.bf16 v29, v24;
	[tilespmem:s0+$0xFFFFFFD0] =	vst v9;
	v9 =	vmul.f32 $8.000000000e+00, v13  }
0x61: {  	v7 =	vpack.i.f32.bf16 v11, v7;
	v11 =	vmul.f32 $8.000000000e+00, v14;
	v13 =	vmul.f32 $8.000000000e+00, v25;
	v24 =	vld.idx.msk [tilespmem:v32+s15+$0x0], $0xffff;
	[tilespmem:s31+$0x60] =	vst v21  }
0x62: {  	v14 =	vpack.i.f32.bf16 v15, v22;
	v15 =	vmul.f32 $8.000000000e+00, v23;
	v21 =	vld.idx.msk [tilespmem:v26+s15+$0x0], $0xffff;
	[tilespmem:s0+$0xFFFFFFF0] =	vst v7;
	v7 =	vmul.f32 $8.000000000e+00, v27  }
0x63: {  	v8 =	vpack.i.f32.bf16 v12, v8;
	v22 =	vmul.f32 $8.000000000e+00, v31;
	[tilespmem:s31+$0xFFFFFFA0] =	vst v14;
	v14 =	vmul.f32 $8.000000000e+00, v17;
	v17 =	vld.idx.msk [tilespmem:v44+s15+$0x0], $0xffff  }
0x64: {  	v23 =	vmul.f32 $8.000000000e+00, v34;
	v12 =	vpack.i.f32.bf16 v15, v13;
	v13 =	vmul.f32 $8.000000000e+00, v28;
	v15 =	vld.idx.msk [tilespmem:v33+s15+$0x0], $0xffff;
	[tilespmem:s0+$0x10] =	vst v8  }
0x65: {  	v9 =	vpack.i.f32.bf16 v9, v10;
	v8 =	vmul.f32 $8.000000000e+00, v30;
	v7 =	vpack.i.f32.bf16 v7, v11;
	[tilespmem:s31+$0xFFFFFFC0] =	vst v12;
	v12 =	vld.idx.msk [tilespmem:v36+s15+$0x0], $0xffff  }
0x66: {  	v10 =	vpack.i.f32.bf16 v13, v14;
	v11 =	vmul.f32 $8.000000000e+00, v18;
	v14 =	vpack.i.f32.bf16 v23, v22;
	v13 =	vld.idx.msk [tilespmem:v37+s15+$0x0], $0xffff;
	[tilespmem:s0+$0x30] =	vst v9  }
0x67: {  	v6 =	vld.idx.msk [tilespmem:v6+s15+$0x0], $0xffff;
	[tilespmem:s31+$0xFFFFFFE0] =	vst v10;
	v10 =	vmul.f32 $8.000000000e+00, v24  }
0x68: {  	v8 =	vpack.i.f32.bf16 v11, v8;
	v18 =	vld.idx.msk [tilespmem:v35+s15+$0x0], $0xffff;
	[tilespmem:s0+$0x50] =	vst v7  }
0x69: {  	v7 =	vmul.f32 $8.000000000e+00, v21;
	v22 =	vld.idx.msk [tilespmem:v38+s15+$0x0], $0xffff;
	[tilespmem:s31+$0x0] =	vst v8;
	v8 =	vmul.f32 $8.000000000e+00, v17  }
0x6a: {  	v11 =	vmul.f32 $8.000000000e+00, v15;
	v21 =	vld.idx.msk [tilespmem:v39+s15+$0x0], $0xffff;
	[tilespmem:s0+$0xFFFFFF90] =	vst v14;
	s0 =	smov.u32 s31  }
0x6b: {  	v12 =	vmul.f32 $8.000000000e+00, v12;
	v9 =	vld.idx.msk [tilespmem:v40+s15+$0x0], $0xffff;
	v8 =	vpack.i.f32.bf16 v8, v7  }
0x6c: {  	v10 =	vpack.i.f32.bf16 v11, v10;
	v13 =	vmul.f32 $8.000000000e+00, v13;
	v7 =	vld.idx.msk [tilespmem:v41+s15+$0x0], $0xffff;
	[tilespmem:s31+$0x70] =	vst v8  }
0x6d: {  	v6 =	vmul.f32 $8.000000000e+00, v6;
	v11 =	vld.idx.msk [tilespmem:v42+s15+$0x0], $0xffff;
	[tilespmem:s31+$0x20] =	vst v10  }
.Ltmp2:
0x6e: {  	v17 =	vmul.f32 $8.000000000e+00, v18;
	v10 =	vpack.i.f32.bf16 v13, v12;
	v8 =	vld.idx.msk [tilespmem:v43+s15+$0x0], $0xffff;
	(pc) =	sbr.rel @p1 .LBB2_3-.Ltmp2, $4  }
0x6f: {  	v6 =	vpack.i.f32.bf16 v6, v19;
	v19 =	vmul.f32 $8.000000000e+00, v22;
	v12 =	vld.idx.msk [tilespmem:v45+s15+$0x0], $0xffff;
	[tilespmem:s31+$0x40] =	vst v10  }
0x70: {  	s16 =	sshll.u32 s1, $0x6;
	v15 =	vmul.f32 $8.000000000e+00, v21;
	[tilespmem:s31+$0xFFFFFF80] =	vst v6;
	v10 =	vld.idx.msk [tilespmem:v46+s15+$0x0], $0xffff  }
0x71: {  	s5 =	sadd.s32 $0x40, s16;
	s25 =	sadd.s32 $0x80, s16;
	s7 =	sadd.s32 $0x1C0, s16;
	v23 =	vor.u32 s16, v0;
	v18 =	vor.u32 s16, v2;
	v6 =	vor.u32 s16, v1;
	v13 =	vld.idx.msk [tilespmem:v47+s15+$0x0], $0xffff  }
0x72: {  	s1 =	sadd.s32 $0x8, s1;
	s26 =	sadd.s32 $0xC0, s16;
	s11 =	sadd.s32 $0x100, s16;
	v24 =	vor.u32 s7, v0;
	v22 =	vor.u32 s5, v0;
	v21 =	vor.u32 s5, v1;
	v14 =	vld.idx.msk [tilespmem:v20+s15+$0x0], $0xffff  }
0x73: {  	_ =	sdelay $0x3  }
0x74: {  	v16 =	vld.idx.msk [tilespmem:v16+s15+$0x0], $0xffff  }
0x75: {  	v4 =	vld.idx.msk [tilespmem:v4+s15+$0x0], $0xffff  }
0x76: {  	v5 =	vld.idx.msk [tilespmem:v5+s15+$0x0], $0xffff  }
0x77: {  	v20 =	vor.u32 s7, v1;
	v23 =	vld.idx.msk [tilespmem:v23+s15+$0x0], $0xffff  }
0x78: {  	v25 =	vor.u32 s25, v0;
	v24 =	vld.idx.msk [tilespmem:v24+s15+$0x0], $0xffff  }
0x79: {  	v26 =	vor.u32 s25, v1;
	v22 =	vld.idx.msk [tilespmem:v22+s15+$0x0], $0xffff  }
0x7a: {  	v27 =	vor.u32 s26, v0;
	v21 =	vld.idx.msk [tilespmem:v21+s15+$0x0], $0xffff  }
0x7b: {  	v28 =	vor.u32 s26, v1;
	v6 =	vld.idx.msk [tilespmem:v6+s15+$0x0], $0xffff  }
0x7c: {  	v29 =	vor.u32 s11, v0;
	v20 =	vld.idx.msk [tilespmem:v20+s15+$0x0], $0xffff  }
0x7d: {  	s19 =	sadd.s32 $0x140, s16;
	v30 =	vor.u32 s11, v1;
	v25 =	vld.idx.msk [tilespmem:v25+s15+$0x0], $0xffff  }
0x7e: {  	v31 =	vor.u32 s19, v0;
	v26 =	vld.idx.msk [tilespmem:v26+s15+$0x0], $0xffff  }
0x7f: {  	v32 =	vor.u32 s7, v2;
	v33 =	vor.u32 s7, v3;
	s28 =	sadd.s32 $0x180, s16;
	v34 =	vor.u32 s19, v1;
	v27 =	vld.idx.msk [tilespmem:v27+s15+$0x0], $0xffff  }
0x80: {  	v36 =	vor.u32 s5, v3;
	v8 =	vmul.f32 $8.000000000e+00, v8;
	v35 =	vor.u32 s28, v0;
	v28 =	vld.idx.msk [tilespmem:v28+s15+$0x0], $0xffff  }
0x81: {  	v37 =	vor.u32 s25, v2;
	v12 =	vmul.f32 $8.000000000e+00, v12;
	v14 =	vmul.f32 $8.000000000e+00, v14;
	v29 =	vld.idx.msk [tilespmem:v29+s15+$0x0], $0xffff  }
0x82: {  	v17 =	vpack.i.f32.bf16 v19, v17;
	v30 =	vld.idx.msk [tilespmem:v30+s15+$0x0], $0xffff;
	v22 =	vmul.f32 $8.000000000e+00, v22;
	v21 =	vmul.f32 $8.000000000e+00, v21  }
0x83: {  	v8 =	vpack.i.f32.bf16 v12, v8;
	v12 =	vmul.f32 $8.000000000e+00, v23;
	v6 =	vmul.f32 $8.000000000e+00, v6;
	v31 =	vld.idx.msk [tilespmem:v31+s15+$0x0], $0xffff  }
0x84: {  	s1 =	sadd.s32 $0x100, s31;
	v24 =	vmul.f32 $8.000000000e+00, v24;
	v34 =	vld.idx.msk [tilespmem:v34+s15+$0x0], $0xffff;
	v21 =	vpack.i.f32.bf16 v21, v22;
	v20 =	vmul.f32 $8.000000000e+00, v20  }
0x85: {  	v16 =	vmul.f32 $8.000000000e+00, v16;
	v35 =	vld.idx.msk [tilespmem:v35+s15+$0x0], $0xffff;
	v6 =	vpack.i.f32.bf16 v6, v12;
	[tilespmem:s1+$0xFFFFFFA0] =	vst v21;
	v25 =	vmul.f32 $8.000000000e+00, v25  }
0x86: {  	[tilespmem:s1+$0xFFFFFF80] =	vst v6;
	v19 =	vld.idx.msk [tilespmem:v36+s15+$0x0], $0xffff;
	v22 =	vmul.f32 $8.000000000e+00, v26;
	v20 =	vpack.i.f32.bf16 v20, v24;
	v24 =	vor.u32 s28, v1  }
0x87: {  	v38 =	vor.u32 s25, v3;
	v39 =	vor.u32 s26, v2;
	v12 =	vpack.i.f32.bf16 v16, v14;
	v16 =	vld.idx.msk [tilespmem:v18+s15+$0x0], $0xffff;
	[tilespmem:s1+$0x60] =	vst v20  }
0x88: {  	v21 =	vmul.f32 $8.000000000e+00, v27;
	v22 =	vpack.i.f32.bf16 v22, v25;
	v25 =	vmul.f32 $8.000000000e+00, v28;
	v32 =	vld.idx.msk [tilespmem:v32+s15+$0x0], $0xffff  }
0x89: {  	v40 =	vor.u32 s26, v3;
	v41 =	vor.u32 s11, v2;
	v42 =	vor.u32 s11, v3;
	[tilespmem:s1+$0xFFFFFFC0] =	vst v22;
	v33 =	vld.idx.msk [tilespmem:v33+s15+$0x0], $0xffff  }
0x8a: {  	v9 =	vmul.f32 $8.000000000e+00, v9;
	v7 =	vmul.f32 $8.000000000e+00, v7;
	v21 =	vpack.i.f32.bf16 v25, v21;
	v25 =	vld.idx.msk [tilespmem:v37+s15+$0x0], $0xffff  }
0x8b: {  	[tilespmem:s31+$0xFFFFFFB0] =	vst v17;
	v17 =	vmul.f32 $8.000000000e+00, v29;
	v20 =	vor.u32 s5, v2;
	v22 =	vmul.f32 $8.000000000e+00, v30;
	v24 =	vld.idx.msk [tilespmem:v24+s15+$0x0], $0xffff  }
0x8c: {  	v11 =	vmul.f32 $8.000000000e+00, v11;
	v43 =	vor.u32 s19, v2;
	v9 =	vpack.i.f32.bf16 v9, v15;
	v15 =	vld.idx.msk [tilespmem:v38+s15+$0x0], $0xffff;
	[tilespmem:s1+$0xFFFFFFE0] =	vst v21  }
0x8d: {  	[tilespmem:s0+$0xFFFFFFD0] =	vst v9;
	v9 =	vmul.f32 $8.000000000e+00, v31;
	v17 =	vpack.i.f32.bf16 v22, v17;
	v21 =	vmul.f32 $8.000000000e+00, v34;
	v22 =	vld.idx.msk [tilespmem:v39+s15+$0x0], $0xffff  }
0x8e: {  	v44 =	vor.u32 s19, v3;
	v7 =	vpack.i.f32.bf16 v11, v7;
	[tilespmem:s1+$0x0] =	vst v17;
	v11 =	vld.idx.msk [tilespmem:v40+s15+$0x0], $0xffff  }
0x8f: {  	v45 =	vor.u32 s28, v2;
	v9 =	vpack.i.f32.bf16 v21, v9;
	v21 =	vld.idx.msk [tilespmem:v41+s15+$0x0], $0xffff  }
0x90: {  	[tilespmem:s0+$0xFFFFFFF0] =	vst v7;
	v27 =	vor.u32 s28, v3;
	v7 =	vmul.f32 $8.000000000e+00, v35;
	v20 =	vld.idx.msk [tilespmem:v20+s15+$0x0], $0xffff;
	v17 =	vmul.f32 $8.000000000e+00, v24  }
0x91: {  	v10 =	vmul.f32 $8.000000000e+00, v10;
	v13 =	vmul.f32 $8.000000000e+00, v13;
	v26 =	vor.u32 s16, v3;
	[tilespmem:s1+$0x20] =	vst v9;
	v9 =	vld.idx.msk [tilespmem:v42+s15+$0x0], $0xffff  }
0x92: {  	[tilespmem:s0+$0x10] =	vst v8;
	v8 =	vld.idx.msk [tilespmem:v43+s15+$0x0], $0xffff;
	v7 =	vpack.i.f32.bf16 v17, v7  }
0x93: {  	v10 =	vpack.i.f32.bf16 v13, v10;
	v4 =	vmul.f32 $8.000000000e+00, v4;
	v5 =	vmul.f32 $8.000000000e+00, v5;
	[tilespmem:s1+$0x40] =	vst v7;
	v7 =	vld.idx.msk [tilespmem:v44+s15+$0x0], $0xffff  }
0x94: {  	[tilespmem:s0+$0x30] =	vst v10;
	v13 =	vmul.f32 $8.000000000e+00, v32;
	v14 =	vmul.f32 $8.000000000e+00, v33;
	v10 =	vld.idx.msk [tilespmem:v45+s15+$0x0], $0xffff  }
0x95: {  	v4 =	vpack.i.f32.bf16 v5, v4;
	[tilespmem:s0+$0x50] =	vst v12;
	v12 =	vmul.f32 $8.000000000e+00, v19;
	v5 =	vmul.f32 $8.000000000e+00, v20;
	v6 =	vld.idx.msk [tilespmem:v27+s15+$0x0], $0xffff  }
0x96: {  	[tilespmem:s0+$0xFFFFFF90] =	vst v4;
	v15 =	vmul.f32 $8.000000000e+00, v15;
	v4 =	vpack.i.f32.bf16 v14, v13;
	v13 =	vmul.f32 $8.000000000e+00, v25;
	v14 =	vld.idx.msk [tilespmem:v26+s15+$0x0], $0xffff  }
0x97: {  	v11 =	vmul.f32 $8.000000000e+00, v11;
	[tilespmem:s1+$0x70] =	vst v4;
	v4 =	vpack.i.f32.bf16 v12, v5;
	v5 =	vmul.f32 $8.000000000e+00, v22  }
0x98: {  	v9 =	vmul.f32 $8.000000000e+00, v9;
	v12 =	vpack.i.f32.bf16 v15, v13;
	[tilespmem:s1+$0xFFFFFFB0] =	vst v4;
	v4 =	vmul.f32 $8.000000000e+00, v21  }
0x99: {  	v8 =	vmul.f32 $8.000000000e+00, v8;
	[tilespmem:s1+$0xFFFFFFD0] =	vst v12;
	v5 =	vpack.i.f32.bf16 v11, v5;
	v7 =	vmul.f32 $8.000000000e+00, v7  }
0x9a: {  	[tilespmem:s1+$0xFFFFFFF0] =	vst v5;
	v4 =	vpack.i.f32.bf16 v9, v4;
	v10 =	vmul.f32 $8.000000000e+00, v10;
	v5 =	vmul.f32 $8.000000000e+00, v6  }
0x9b: {  	s5 =	sshll.u32 s29, $0xF;
	v9 =	vmul.f32 $8.000000000e+00, v14;
	[tilespmem:s1+$0x10] =	vst v4;
	v6 =	vmul.f32 $8.000000000e+00, v16;
	v4 =	vpack.i.f32.bf16 v7, v8  }
0x9c: {  	s0 =	sadd.s32 s8, s5;
	v5 =	vpack.i.f32.bf16 v5, v10;
	[tilespmem:s1+$0x30] =	vst v4  }
0x9d: {  	s0 =	sshrl.u32 s0, $0x4;
	v4 =	vpack.i.f32.bf16 v9, v6;
	[tilespmem:s1+$0x50] =	vst v5  }
0x9e: {  	p1 =	seq.s32 s29, $0x31;
	s0 =	sadd.s32 s6, s0;
	[tilespmem:s1+$0xFFFFFF90] =	vst v4  }
0x9f: {  	[hbm4b:s0+s3] =	stream.linear.scatter [tilespmem:s22], [sflag:$0x3], $0x2000, $0x38;
	[tilespmem:$0xC200] =	vst v63  }
0xa0: {  	s0 =	sadd.s32 @!p1 s30, s9  }
0xa1: {  	s0 =	sshll.u32 @!p1 s0, $0x4  }
0xa2: {  	s0 =	sand.u32 @!p1 $0x1FFFFFC0, s0  }
0xa3: {  	s1 =	simm.s32 @!p1 $0x0;
	s0 =	sadd.s32 @!p1 s2, s0  }
0xa4: {  	[tilespmem:s1], [sflag:$0x5] =	stream.linear.gather @!p1 [hbm4b:s0+s1], $0x100, $0x38;
	[tilespmem:$0xC200] =	vst v63  }
0xa5: {  	s0 =	simm.s32 @!p1 $0x5  }
0xa6: {  	_ =	swait.ge @!p1 [sflag:s0], $0x100  }
0xa7: {  	[sflag:s0] =	ssyncset.done @!p1 $0x0  }
0xa8: {  	s5 =	simm.s32 @!p1 $0x200;
	[sflag:s0] =	ssyncadd.s32 @!p1 $0xFFFFFF00;
	s0 =	simm.s32 @!p1 $0x80  }
0xa9: {  	[tilespmem:s5], [sflag:$0x1] =	stream.indirect.gather @!p1 [hbm4b:s4+s0], $0x40, s1, s0, $0xb8;
	[tilespmem:$0xC200] =	vst v63  }
0xaa: {  	s1 =	simm.s32 @!p1 $0x2200  }
0xab: {  	[tilespmem:s1], [sflag:$0x1] =	stream.indirect.gather @!p1 [hbm4b:s4+s0], $0x40, s0, s0, $0xb8;
	[tilespmem:$0xC200] =	vst v63  }
0xac: {  	_ =	swait.ge [sflag:s23], $0x2000  }
0xad: {  	[sflag:s23] =	ssyncset.done $0x0  }
0xae: {  	[sflag:s23] =	ssyncadd.s32 $0xFFFFE000  }
0xaf: {  	s0 =	simm.s32 $0x0;
	_ =	swait.ge [sflag:s23], $0x2000  }
0xb0: {  	s7 =	simm.s32 $0x1C0;
	v4 =	vor.u32 s0, v0;
	[sflag:s23] =	ssyncset.done $0x0  }
0xb1: {  	v5 =	vor.u32 s7, v0;
	s5 =	simm.s32 @!p0 $0x4;
	[sflag:s23] =	ssyncadd.s32 $0xFFFFE000  }
0xb2: {  	s11 =	simm.s32 $0x40;
	v6 =	vor.u32 s7, v1;
	_ =	swait.ge @!p0 [sflag:s5], $0x2000  }
0xb3: {  	v7 =	vor.u32 s11, v0;
	[sflag:s5] =	ssyncset.done @!p0 $0x0  }
0xb4: {  	s16 =	simm.s32 $0x80;
	v8 =	vor.u32 s11, v1;
	[sflag:s5] =	ssyncadd.s32 @!p0 $0xFFFFE000  }
0xb5: {  	s19 =	simm.s32 $0xC0;
	v9 =	vor.u32 s16, v0;
	v10 =	vld.idx.msk [tilespmem:v4+s18+$0x0], $0xffff  }
0xb6: {  	v11 =	vor.u32 s19, v0;
	v5 =	vld.idx.msk [tilespmem:v5+s18+$0x0], $0xffff  }
0xb7: {  	s25 =	simm.s32 $0x100;
	v12 =	vor.u32 s19, v1;
	v6 =	vld.idx.msk [tilespmem:v6+s18+$0x0], $0xffff  }
0xb8: {  	v13 =	vor.u32 s25, v0;
	v7 =	vld.idx.msk [tilespmem:v7+s18+$0x0], $0xffff  }
0xb9: {  	s26 =	simm.s32 $0x140;
	v14 =	vor.u32 s25, v1;
	v8 =	vld.idx.msk [tilespmem:v8+s18+$0x0], $0xffff  }
0xba: {  	v15 =	vor.u32 s26, v0;
	v9 =	vld.idx.msk [tilespmem:v9+s18+$0x0], $0xffff  }
0xbb: {  	v4 =	vor.u32 s16, v1;
	v11 =	vld.idx.msk [tilespmem:v11+s18+$0x0], $0xffff  }
0xbc: {  	v18 =	vor.u32 s26, v1;
	s28 =	simm.s32 $0x180;
	v12 =	vld.idx.msk [tilespmem:v12+s18+$0x0], $0xffff  }
0xbd: {  	v19 =	vor.u32 s28, v0;
	v13 =	vld.idx.msk [tilespmem:v13+s18+$0x0], $0xffff  }
0xbe: {  	v17 =	vor.u32 s7, v3;
	v14 =	vld.idx.msk [tilespmem:v14+s18+$0x0], $0xffff  }
0xbf: {  	v22 =	vor.u32 s11, v3;
	v15 =	vld.idx.msk [tilespmem:v15+s18+$0x0], $0xffff;
	v5 =	vmul.f32 $8.000000000e+00, v5;
	v6 =	vmul.f32 $8.000000000e+00, v6  }
0xc0: {  	v16 =	vld.idx.msk [tilespmem:v4+s18+$0x0], $0xffff;
	v4 =	vor.u32 s7, v2;
	v7 =	vmul.f32 $8.000000000e+00, v7;
	v8 =	vmul.f32 $8.000000000e+00, v8  }
0xc1: {  	s31 =	simm.s32 $0xA280;
	v18 =	vld.idx.msk [tilespmem:v18+s18+$0x0], $0xffff;
	v5 =	vpack.i.f32.bf16 v6, v5;
	v6 =	vor.u32 s28, v1  }
0xc2: {  	v21 =	vor.u32 s11, v2;
	v19 =	vld.idx.msk [tilespmem:v19+s18+$0x0], $0xffff;
	v7 =	vpack.i.f32.bf16 v8, v7;
	[tilespmem:s31+$0x60] =	vst v5  }
0xc3: {  	v5 =	vor.u32 s0, v1;
	[tilespmem:s31+$0xFFFFFFA0] =	vst v7;
	v17 =	vld.idx.msk [tilespmem:v17+s18+$0x0], $0xffff  }
0xc4: {  	v61 =	vor.u32 s25, v3;
	v63 =	vor.u32 s26, v3;
	v23 =	vor.u32 s16, v2;
	v22 =	vld.idx.msk [tilespmem:v22+s18+$0x0], $0xffff  }
0xc5: {  	v24 =	vor.u32 s16, v3;
	v9 =	vmul.f32 $8.000000000e+00, v9;
	v20 =	vld.idx.msk [tilespmem:v4+s18+$0x0], $0xffff;
	v8 =	vmul.f32 $8.000000000e+00, v16  }
0xc6: {  	v25 =	vor.u32 s19, v2;
	v26 =	vor.u32 s19, v3;
	v15 =	vmul.f32 $8.000000000e+00, v15;
	v6 =	vld.idx.msk [tilespmem:v6+s18+$0x0], $0xffff  }
0xc7: {  	v7 =	vmul.f32 $8.000000000e+00, v11;
	v8 =	vpack.i.f32.bf16 v8, v9;
	v9 =	vmul.f32 $8.000000000e+00, v12;
	v12 =	vld.idx.msk [tilespmem:v21+s18+$0x0], $0xffff  }
0xc8: {  	v27 =	vor.u32 s25, v2;
	v18 =	vmul.f32 $8.000000000e+00, v18;
	v19 =	vmul.f32 $8.000000000e+00, v19;
	v62 =	vld.idx.msk [tilespmem:v5+s18+$0x0], $0xffff;
	[tilespmem:s31+$0xFFFFFFC0] =	vst v8  }
0xc9: {  	v11 =	vmul.f32 $8.000000000e+00, v14;
	v8 =	vmul.f32 $8.000000000e+00, v13;
	v7 =	vpack.i.f32.bf16 v9, v7;
	v13 =	vld.idx.msk [tilespmem:v23+s18+$0x0], $0xffff  }
0xca: {  	v10 =	vmul.f32 $8.000000000e+00, v10;
	v15 =	vpack.i.f32.bf16 v18, v15;
	v14 =	vor.u32 s28, v2;
	v9 =	vld.idx.msk [tilespmem:v24+s18+$0x0], $0xffff;
	[tilespmem:s31+$0xFFFFFFE0] =	vst v7  }
0xcb: {  	v4 =	vor.u32 s0, v2;
	v21 =	vor.u32 s26, v2;
	v8 =	vpack.i.f32.bf16 v11, v8;
	v7 =	vld.idx.msk [tilespmem:v25+s18+$0x0], $0xffff  }
0xcc: {  	s16 =	simm.s32 $0x200;
	v16 =	vor.u32 s28, v3;
	v17 =	vmul.f32 $8.000000000e+00, v17;
	v20 =	vmul.f32 $8.000000000e+00, v20;
	[tilespmem:s31+$0x0] =	vst v8;
	v11 =	vld.idx.msk [tilespmem:v26+s18+$0x0], $0xffff  }
0xcd: {  	v5 =	vor.u32 s0, v3;
	v23 =	vor.u32 s16, v0;
	v6 =	vmul.f32 $8.000000000e+00, v6;
	v8 =	vld.idx.msk [tilespmem:v27+s18+$0x0], $0xffff  }
0xce: {  	s7 =	simm.s32 $0x3C0;
	[tilespmem:s31+$0x20] =	vst v15;
	v20 =	vpack.i.f32.bf16 v17, v20;
	v17 =	vmul.f32 $8.000000000e+00, v12;
	v12 =	vld.idx.msk [tilespmem:v61+s18+$0x0], $0xffff;
	v18 =	vmul.f32 $8.000000000e+00, v62  }
0xcf: {  	s5 =	simm.s32 $0x240;
	v24 =	vor.u32 s7, v0;
	[tilespmem:s31+$0x70] =	vst v20;
	v6 =	vpack.i.f32.bf16 v6, v19;
	v15 =	vmul.f32 $8.000000000e+00, v13;
	v13 =	vld.idx.msk [tilespmem:v63+s18+$0x0], $0xffff  }
0xd0: {  	s25 =	simm.s32 $0x280;
	s11 =	simm.s32 $0x300;
	v19 =	vmul.f32 $8.000000000e+00, v22;
	v22 =	vor.u32 s5, v0;
	v20 =	vpack.i.f32.bf16 v18, v10;
	v10 =	vld.idx.msk [tilespmem:v21+s18+$0x0], $0xffff;
	[tilespmem:s31+$0x40] =	vst v6  }
0xd1: {  	s1 =	simm.s32 $0x10;
	s26 =	simm.s32 $0x2C0;
	s0 =	simm.s32 $0xA280;
	v6 =	vor.u32 s16, v1;
	v18 =	vor.u32 s16, v2;
	v21 =	vor.u32 s5, v1;
	[tilespmem:s31+$0xFFFFFF80] =	vst v20;
	v14 =	vld.idx.msk [tilespmem:v14+s18+$0x0], $0xffff  }
.LBB2_5:
0xd2: {  	p0 =	slt.u32 s1, $0xF8;
	v25 =	vor.u32 s25, v0;
	v26 =	vor.u32 s25, v1;
	s19 =	sadd.s32 $0x140, s16;
	s28 =	sadd.s32 $0x180, s16;
	v20 =	vor.u32 s7, v1;
	v27 =	vld.idx.msk [tilespmem:v16+s18+$0x0], $0xffff  }
0xd3: {  	v28 =	vor.u32 s26, v0;
	v29 =	vor.u32 s26, v1;
	v30 =	vor.u32 s11, v0;
	v31 =	vld.idx.msk [tilespmem:v4+s18+$0x0], $0xffff;
	v4 =	vmovc v18  }
0xd4: {  	v18 =	vor.u32 s11, v1;
	v32 =	vor.u32 s19, v0;
	v33 =	vor.u32 s19, v1;
	v34 =	vld.idx.msk [tilespmem:v5+s18+$0x0], $0xffff  }
0xd5: {  	v35 =	vor.u32 s5, v2;
	v36 =	vor.u32 s28, v0;
	v37 =	vor.u32 s28, v1;
	v23 =	vld.idx.msk [tilespmem:v23+s18+$0x0], $0xffff  }
0xd6: {  	v38 =	vor.u32 s5, v3;
	v39 =	vor.u32 s25, v2;
	v40 =	vor.u32 s25, v3;
	v24 =	vld.idx.msk [tilespmem:v24+s18+$0x0], $0xffff  }
0xd7: {  	v41 =	vor.u32 s26, v2;
	v42 =	vor.u32 s26, v3;
	v43 =	vor.u32 s11, v2;
	v44 =	vld.idx.msk [tilespmem:v20+s18+$0x0], $0xffff  }
0xd8: {  	v45 =	vor.u32 s11, v3;
	v46 =	vor.u32 s19, v2;
	v47 =	vor.u32 s19, v3;
	v22 =	vld.idx.msk [tilespmem:v22+s18+$0x0], $0xffff  }
0xd9: {  	v16 =	vor.u32 s28, v3;
	v5 =	vor.u32 s16, v3;
	v20 =	vor.u32 s28, v2;
	v21 =	vld.idx.msk [tilespmem:v21+s18+$0x0], $0xffff  }
0xda: {  	v17 =	vpack.i.f32.bf16 v19, v17;
	v9 =	vmul.f32 $8.000000000e+00, v9;
	v7 =	vmul.f32 $8.000000000e+00, v7;
	v25 =	vld.idx.msk [tilespmem:v25+s18+$0x0], $0xffff  }
0xdb: {  	v11 =	vmul.f32 $8.000000000e+00, v11;
	v19 =	vmul.f32 $8.000000000e+00, v23;
	v23 =	vld.idx.msk [tilespmem:v26+s18+$0x0], $0xffff;
	[tilespmem:s31+$0xFFFFFFB0] =	vst v17  }
0xdc: {  	v8 =	vmul.f32 $8.000000000e+00, v8;
	v12 =	vmul.f32 $8.000000000e+00, v12;
	v26 =	vor.u32 s7, v2;
	v17 =	vld.idx.msk [tilespmem:v28+s18+$0x0], $0xffff  }
0xdd: {  	v24 =	vmul.f32 $8.000000000e+00, v24;
	v28 =	vld.idx.msk [tilespmem:v29+s18+$0x0], $0xffff;
	v29 =	vmul.f32 $8.000000000e+00, v44;
	v44 =	vor.u32 s7, v3  }
0xde: {  	v9 =	vpack.i.f32.bf16 v9, v15;
	v10 =	vmul.f32 $8.000000000e+00, v10;
	v22 =	vmul.f32 $8.000000000e+00, v22;
	v30 =	vld.idx.msk [tilespmem:v30+s18+$0x0], $0xffff  }
0xdf: {  	s31 =	sadd.s32 $0x100, s31;
	v15 =	vmul.f32 $8.000000000e+00, v21;
	v18 =	vld.idx.msk [tilespmem:v18+s18+$0x0], $0xffff;
	v21 =	vpack.i.f32.bf16 v29, v24;
	[tilespmem:s0+$0xFFFFFFD0] =	vst v9;
	v9 =	vmul.f32 $8.000000000e+00, v13  }
0xe0: {  	v7 =	vpack.i.f32.bf16 v11, v7;
	v11 =	vmul.f32 $8.000000000e+00, v14;
	v13 =	vmul.f32 $8.000000000e+00, v25;
	v24 =	vld.idx.msk [tilespmem:v32+s18+$0x0], $0xffff;
	[tilespmem:s31+$0x60] =	vst v21  }
0xe1: {  	v14 =	vpack.i.f32.bf16 v15, v22;
	v15 =	vmul.f32 $8.000000000e+00, v23;
	v21 =	vld.idx.msk [tilespmem:v26+s18+$0x0], $0xffff;
	[tilespmem:s0+$0xFFFFFFF0] =	vst v7;
	v7 =	vmul.f32 $8.000000000e+00, v27  }
0xe2: {  	v8 =	vpack.i.f32.bf16 v12, v8;
	v22 =	vmul.f32 $8.000000000e+00, v31;
	[tilespmem:s31+$0xFFFFFFA0] =	vst v14;
	v14 =	vmul.f32 $8.000000000e+00, v17;
	v17 =	vld.idx.msk [tilespmem:v44+s18+$0x0], $0xffff  }
0xe3: {  	v23 =	vmul.f32 $8.000000000e+00, v34;
	v12 =	vpack.i.f32.bf16 v15, v13;
	v13 =	vmul.f32 $8.000000000e+00, v28;
	v15 =	vld.idx.msk [tilespmem:v33+s18+$0x0], $0xffff;
	[tilespmem:s0+$0x10] =	vst v8  }
0xe4: {  	v9 =	vpack.i.f32.bf16 v9, v10;
	v8 =	vmul.f32 $8.000000000e+00, v30;
	v7 =	vpack.i.f32.bf16 v7, v11;
	[tilespmem:s31+$0xFFFFFFC0] =	vst v12;
	v12 =	vld.idx.msk [tilespmem:v36+s18+$0x0], $0xffff  }
0xe5: {  	v10 =	vpack.i.f32.bf16 v13, v14;
	v11 =	vmul.f32 $8.000000000e+00, v18;
	v14 =	vpack.i.f32.bf16 v23, v22;
	v13 =	vld.idx.msk [tilespmem:v37+s18+$0x0], $0xffff;
	[tilespmem:s0+$0x30] =	vst v9  }
0xe6: {  	v6 =	vld.idx.msk [tilespmem:v6+s18+$0x0], $0xffff;
	[tilespmem:s31+$0xFFFFFFE0] =	vst v10;
	v10 =	vmul.f32 $8.000000000e+00, v24  }
0xe7: {  	v8 =	vpack.i.f32.bf16 v11, v8;
	v18 =	vld.idx.msk [tilespmem:v35+s18+$0x0], $0xffff;
	[tilespmem:s0+$0x50] =	vst v7  }
0xe8: {  	v7 =	vmul.f32 $8.000000000e+00, v21;
	v22 =	vld.idx.msk [tilespmem:v38+s18+$0x0], $0xffff;
	[tilespmem:s31+$0x0] =	vst v8;
	v8 =	vmul.f32 $8.000000000e+00, v17  }
0xe9: {  	v11 =	vmul.f32 $8.000000000e+00, v15;
	v21 =	vld.idx.msk [tilespmem:v39+s18+$0x0], $0xffff;
	[tilespmem:s0+$0xFFFFFF90] =	vst v14;
	s0 =	smov.u32 s31  }
0xea: {  	v12 =	vmul.f32 $8.000000000e+00, v12;
	v9 =	vld.idx.msk [tilespmem:v40+s18+$0x0], $0xffff;
	v8 =	vpack.i.f32.bf16 v8, v7  }
0xeb: {  	v10 =	vpack.i.f32.bf16 v11, v10;
	v13 =	vmul.f32 $8.000000000e+00, v13;
	v7 =	vld.idx.msk [tilespmem:v41+s18+$0x0], $0xffff;
	[tilespmem:s31+$0x70] =	vst v8  }
0xec: {  	v6 =	vmul.f32 $8.000000000e+00, v6;
	v11 =	vld.idx.msk [tilespmem:v42+s18+$0x0], $0xffff;
	[tilespmem:s31+$0x20] =	vst v10  }
.Ltmp3:
0xed: {  	v17 =	vmul.f32 $8.000000000e+00, v18;
	v10 =	vpack.i.f32.bf16 v13, v12;
	v8 =	vld.idx.msk [tilespmem:v43+s18+$0x0], $0xffff;
	(pc) =	sbr.rel @p0 .LBB2_5-.Ltmp3, $4  }
0xee: {  	v6 =	vpack.i.f32.bf16 v6, v19;
	v19 =	vmul.f32 $8.000000000e+00, v22;
	v12 =	vld.idx.msk [tilespmem:v45+s18+$0x0], $0xffff;
	[tilespmem:s31+$0x40] =	vst v10  }
0xef: {  	s16 =	sshll.u32 s1, $0x6;
	v15 =	vmul.f32 $8.000000000e+00, v21;
	[tilespmem:s31+$0xFFFFFF80] =	vst v6;
	v10 =	vld.idx.msk [tilespmem:v46+s18+$0x0], $0xffff  }
0xf0: {  	s5 =	sadd.s32 $0x40, s16;
	s25 =	sadd.s32 $0x80, s16;
	s7 =	sadd.s32 $0x1C0, s16;
	v23 =	vor.u32 s16, v0;
	v18 =	vor.u32 s16, v2;
	v6 =	vor.u32 s16, v1;
	v13 =	vld.idx.msk [tilespmem:v47+s18+$0x0], $0xffff  }
0xf1: {  	s1 =	sadd.s32 $0x8, s1;
	s26 =	sadd.s32 $0xC0, s16;
	s11 =	sadd.s32 $0x100, s16;
	v24 =	vor.u32 s7, v0;
	v22 =	vor.u32 s5, v0;
	v21 =	vor.u32 s5, v1;
	v14 =	vld.idx.msk [tilespmem:v20+s18+$0x0], $0xffff  }
0xf2: {  	_ =	sdelay $0x3  }
0xf3: {  	v16 =	vld.idx.msk [tilespmem:v16+s18+$0x0], $0xffff  }
0xf4: {  	v4 =	vld.idx.msk [tilespmem:v4+s18+$0x0], $0xffff  }
0xf5: {  	v5 =	vld.idx.msk [tilespmem:v5+s18+$0x0], $0xffff  }
0xf6: {  	v20 =	vor.u32 s7, v1;
	v23 =	vld.idx.msk [tilespmem:v23+s18+$0x0], $0xffff  }
0xf7: {  	v25 =	vor.u32 s25, v0;
	v24 =	vld.idx.msk [tilespmem:v24+s18+$0x0], $0xffff  }
0xf8: {  	v26 =	vor.u32 s25, v1;
	v22 =	vld.idx.msk [tilespmem:v22+s18+$0x0], $0xffff  }
0xf9: {  	v27 =	vor.u32 s26, v0;
	v21 =	vld.idx.msk [tilespmem:v21+s18+$0x0], $0xffff  }
0xfa: {  	v28 =	vor.u32 s26, v1;
	v6 =	vld.idx.msk [tilespmem:v6+s18+$0x0], $0xffff  }
0xfb: {  	v29 =	vor.u32 s11, v0;
	v20 =	vld.idx.msk [tilespmem:v20+s18+$0x0], $0xffff  }
0xfc: {  	s19 =	sadd.s32 $0x140, s16;
	v30 =	vor.u32 s11, v1;
	v25 =	vld.idx.msk [tilespmem:v25+s18+$0x0], $0xffff  }
0xfd: {  	v31 =	vor.u32 s19, v0;
	v26 =	vld.idx.msk [tilespmem:v26+s18+$0x0], $0xffff  }
0xfe: {  	s28 =	sadd.s32 $0x180, s16;
	v34 =	vor.u32 s19, v1;
	v27 =	vld.idx.msk [tilespmem:v27+s18+$0x0], $0xffff  }
0xff: {  	v35 =	vor.u32 s28, v0;
	v28 =	vld.idx.msk [tilespmem:v28+s18+$0x0], $0xffff  }
0x100: {  	v32 =	vor.u32 s7, v2;
	v36 =	vor.u32 s5, v3;
	v29 =	vld.idx.msk [tilespmem:v29+s18+$0x0], $0xffff  }
0x101: {  	v56 =	vor.u32 s28, v1;
	v30 =	vld.idx.msk [tilespmem:v30+s18+$0x0], $0xffff;
	v22 =	vmul.f32 $8.000000000e+00, v22;
	v21 =	vmul.f32 $8.000000000e+00, v21  }
0x102: {  	v33 =	vor.u32 s7, v3;
	v57 =	vor.u32 s5, v2;
	v37 =	vor.u32 s25, v2;
	v31 =	vld.idx.msk [tilespmem:v31+s18+$0x0], $0xffff  }
0x103: {  	s1 =	sadd.s32 $0x100, s31;
	v49 =	vmul.f32 $8.000000000e+00, v23;
	v6 =	vmul.f32 $8.000000000e+00, v6;
	v34 =	vld.idx.msk [tilespmem:v34+s18+$0x0], $0xffff;
	v21 =	vpack.i.f32.bf16 v21, v22  }
0x104: {  	v38 =	vor.u32 s25, v3;
	v24 =	vmul.f32 $8.000000000e+00, v24;
	v35 =	vld.idx.msk [tilespmem:v35+s18+$0x0], $0xffff;
	[tilespmem:s1+$0xFFFFFFA0] =	vst v21;
	v20 =	vmul.f32 $8.000000000e+00, v20  }
0x105: {  	v6 =	vpack.i.f32.bf16 v6, v49;
	v62 =	vld.idx.msk [tilespmem:v36+s18+$0x0], $0xffff;
	v25 =	vmul.f32 $8.000000000e+00, v25;
	v58 =	vmul.f32 $8.000000000e+00, v26  }
0x106: {  	v39 =	vor.u32 s26, v2;
	v40 =	vor.u32 s26, v3;
	[tilespmem:s1+$0xFFFFFF80] =	vst v6;
	v20 =	vpack.i.f32.bf16 v20, v24;
	v24 =	vld.idx.msk [tilespmem:v56+s18+$0x0], $0xffff  }
0x107: {  	v41 =	vor.u32 s11, v2;
	v9 =	vmul.f32 $8.000000000e+00, v9;
	v22 =	vpack.i.f32.bf16 v58, v25;
	v58 =	vld.idx.msk [tilespmem:v18+s18+$0x0], $0xffff  }
0x108: {  	v42 =	vor.u32 s11, v3;
	v7 =	vmul.f32 $8.000000000e+00, v7;
	v11 =	vmul.f32 $8.000000000e+00, v11;
	[tilespmem:s1+$0x60] =	vst v20;
	v20 =	vld.idx.msk [tilespmem:v57+s18+$0x0], $0xffff  }
0x109: {  	v17 =	vpack.i.f32.bf16 v19, v17;
	v59 =	vmul.f32 $8.000000000e+00, v27;
	v60 =	vmul.f32 $8.000000000e+00, v28;
	v32 =	vld.idx.msk [tilespmem:v32+s18+$0x0], $0xffff  }
0x10a: {  	v8 =	vmul.f32 $8.000000000e+00, v8;
	v43 =	vor.u32 s19, v2;
	v44 =	vor.u32 s19, v3;
	[tilespmem:s1+$0xFFFFFFC0] =	vst v22;
	v33 =	vld.idx.msk [tilespmem:v33+s18+$0x0], $0xffff  }
0x10b: {  	[tilespmem:s31+$0xFFFFFFB0] =	vst v17;
	v63 =	vmul.f32 $8.000000000e+00, v29;
	v28 =	vmul.f32 $8.000000000e+00, v30;
	v21 =	vpack.i.f32.bf16 v60, v59;
	v29 =	vld.idx.msk [tilespmem:v37+s18+$0x0], $0xffff  }
0x10c: {  	v45 =	vor.u32 s28, v2;
	v9 =	vpack.i.f32.bf16 v9, v15;
	v26 =	vor.u32 s16, v3;
	[tilespmem:s1+$0xFFFFFFE0] =	vst v21;
	v30 =	vld.idx.msk [tilespmem:v38+s18+$0x0], $0xffff  }
0x10d: {  	v61 =	vor.u32 s28, v3;
	v12 =	vmul.f32 $8.000000000e+00, v12;
	[tilespmem:s0+$0xFFFFFFD0] =	vst v9;
	v17 =	vpack.i.f32.bf16 v28, v63;
	v38 =	vld.idx.msk [tilespmem:v39+s18+$0x0], $0xffff  }
0x10e: {  	v7 =	vpack.i.f32.bf16 v11, v7;
	v36 =	vmul.f32 $8.000000000e+00, v31;
	[tilespmem:s1+$0x0] =	vst v17;
	v37 =	vmul.f32 $8.000000000e+00, v34;
	v39 =	vld.idx.msk [tilespmem:v40+s18+$0x0], $0xffff  }
0x10f: {  	v10 =	vmul.f32 $8.000000000e+00, v10;
	[tilespmem:s0+$0xFFFFFFF0] =	vst v7;
	v13 =	vmul.f32 $8.000000000e+00, v13;
	v8 =	vpack.i.f32.bf16 v12, v8;
	v47 =	vld.idx.msk [tilespmem:v41+s18+$0x0], $0xffff  }
0x110: {  	[tilespmem:s0+$0x10] =	vst v8;
	v40 =	vmul.f32 $8.000000000e+00, v35;
	v48 =	vld.idx.msk [tilespmem:v42+s18+$0x0], $0xffff;
	v9 =	vpack.i.f32.bf16 v37, v36;
	v46 =	vmul.f32 $8.000000000e+00, v24  }
0x111: {  	v14 =	vmul.f32 $8.000000000e+00, v14;
	v16 =	vmul.f32 $8.000000000e+00, v16;
	v10 =	vpack.i.f32.bf16 v13, v10;
	v60 =	vld.idx.msk [tilespmem:v26+s18+$0x0], $0xffff;
	[tilespmem:s1+$0x20] =	vst v9  }
0x112: {  	v4 =	vmul.f32 $8.000000000e+00, v4;
	v5 =	vmul.f32 $8.000000000e+00, v5;
	[tilespmem:s0+$0x30] =	vst v10;
	v50 =	vld.idx.msk [tilespmem:v43+s18+$0x0], $0xffff;
	v7 =	vpack.i.f32.bf16 v46, v40  }
0x113: {  	v53 =	vpack.i.f32.bf16 v16, v14;
	v51 =	vld.idx.msk [tilespmem:v44+s18+$0x0], $0xffff;
	v54 =	vmul.f32 $8.000000000e+00, v32;
	v55 =	vmul.f32 $8.000000000e+00, v33;
	[tilespmem:s1+$0x40] =	vst v7  }
0x114: {  	v4 =	vpack.i.f32.bf16 v5, v4;
	[tilespmem:s0+$0x50] =	vst v53;
	v57 =	vmul.f32 $8.000000000e+00, v62;
	v5 =	vmul.f32 $8.000000000e+00, v20;
	v52 =	vld.idx.msk [tilespmem:v45+s18+$0x0], $0xffff  }
0x115: {  	[tilespmem:s0+$0xFFFFFF90] =	vst v4;
	v59 =	vmul.f32 $8.000000000e+00, v29;
	v15 =	vmul.f32 $8.000000000e+00, v30;
	v56 =	vld.idx.msk [tilespmem:v61+s18+$0x0], $0xffff;
	v4 =	vpack.i.f32.bf16 v55, v54  }
0x116: {  	v11 =	vmul.f32 $8.000000000e+00, v39;
	[tilespmem:s1+$0x70] =	vst v4;
	v4 =	vpack.i.f32.bf16 v57, v5;
	v5 =	vmul.f32 $8.000000000e+00, v38  }
0x117: {  	v9 =	vmul.f32 $8.000000000e+00, v48;
	v61 =	vpack.i.f32.bf16 v15, v59;
	[tilespmem:s1+$0xFFFFFFB0] =	vst v4;
	v4 =	vmul.f32 $8.000000000e+00, v47  }
0x118: {  	[tilespmem:s1+$0xFFFFFFD0] =	vst v61;
	v8 =	vmul.f32 $8.000000000e+00, v50;
	v7 =	vmul.f32 $8.000000000e+00, v51;
	v5 =	vpack.i.f32.bf16 v11, v5  }
0x119: {  	v62 =	vmul.f32 $8.000000000e+00, v58;
	v63 =	vmul.f32 $8.000000000e+00, v60;
	[tilespmem:s1+$0xFFFFFFF0] =	vst v5;
	v4 =	vpack.i.f32.bf16 v9, v4  }
.Ltmp4:
0x11a: {  	v10 =	vmul.f32 $8.000000000e+00, v52;
	v5 =	vmul.f32 $8.000000000e+00, v56;
	[tilespmem:s1+$0x10] =	vst v4;
	v4 =	vpack.i.f32.bf16 v7, v8;
	(pc) =	sbr.rel @p1 .LBB2_8-.Ltmp4, $4  }
0x11b: {  	[tilespmem:s1+$0x30] =	vst v4;
	v4 =	vpack.i.f32.bf16 v63, v62  }
0x11c: {  	s31 =	sshll.u32 s29, $0xB;
	v5 =	vpack.i.f32.bf16 v5, v10;
	[tilespmem:s1+$0xFFFFFF90] =	vst v4  }
0x11d: {  	s0 =	sadd.s32 s12, s31;
	[tilespmem:s1+$0x50] =	vst v5  }
0x11e: {  	[hbm4b:s0+s3] =	stream.linear.scatter [tilespmem:s24], [sflag:$0x4], $0x2000, $0x38;
	[tilespmem:$0xC200] =	vst v63  }
0x11f: {  	s0 =	sadd.s32 s30, s10  }
0x120: {  	s0 =	sshll.u32 s0, $0x4  }
0x121: {  	s0 =	sand.u32 $0x1FFFFFE0, s0  }
0x122: {  	s0 =	sadd.s32 s2, s0  }
0x123: {  	[tilespmem:s17], [sflag:$0x5] =	stream.linear.gather [hbm4b:s0+s3], $0x100, $0x38;
	[tilespmem:$0xC200] =	vst v63  }
0x124: {  	_ =	swait.ge [sflag:s13], $0x100  }
.Ltmp5:
0x125: {  	[sflag:s13] =	ssyncset.done $0x0;
	(pc) =	sbr.rel .LBB2_2-.Ltmp5, $4  }
0x126: {  	[sflag:s13] =	ssyncadd.s32 $0xFFFFFF00  }
0x127: {  	[tilespmem:s18], [sflag:$0x2] =	stream.indirect.gather [hbm4b:s4+s14], $0x40, s17, s14, $0xb8;
	[tilespmem:$0xC200] =	vst v63  }
0x128: {  	s31 =	simm.s32 $0x180;
	s29 =	sadd.s32 $0x1, s29  }
0x129: {  	[tilespmem:s20], [sflag:$0x2] =	stream.indirect.gather [hbm4b:s4+s14], $0x40, s31, s14, $0xb8;
	[tilespmem:$0xC200] =	vst v63  }
.LBB2_9:
0x12a: {  	_ =	sfence.sel $0x180000  }
0x12b: {  	[bflag:$0x0] =	sbarrier.arrive $0xFFFF  }
0x12c: {  	_ =	strace $0x90000047  }
0x12d: {  	s0 =	stileid.u32;
	[bflag:$0x2] =	sbarrier.arrive $0xFFFF  }
0x12e: {  	p0 =	sne.s32 s0, $0x0;
	s0 =	rddreg [dreg:$0x2]  }
0x12f: {  	s0 =	sadd.s32 @!p0 $0x100000, s0  }
0x130: {  	[sflag:s0] =	ssyncadd.tile.s32 @!p0 $0x1;
	_ =	shalt  }
.Lfunc_end2:
_tile_overlayer_lowered:
.L_overlay_start_2:
0x131: {  	(tag) =	ssettag $0x2  }
0x132: {  	s0 =	rddreg [dreg:$0x0];
	s2 =	stileid.u32  }
0x133: {  	s1 =	rddreg [dreg:$0x1];
	p0 =	sne.s32 s2, $0x0  }
0x134: {  	s3 =	rddreg [dreg:$0x2];
	[bflag:$0x3] =	sbarrier.arrive $0xFFFF;
	s2 =	simm.s32 @!p0 $0x1C05  }
0x135: {  	[timem:s3], [sflag:s2] =	dma.local @!p0 [hbm:s0], s1  }
0x136: {  	s0 =	simm.s32 @!p0 $0x5  }
0x137: {  	_ =	swait.ge @!p0 [sflag:s0], s1  }
0x138: {  	s1 =	ssub.s32 @!p0 $0x0, s1;
	[sflag:s0] =	ssyncset.done @!p0 $0x0  }
0x139: {  	[sflag:s0] =	ssyncadd.s32 @!p0 s1  }
0x13a: {  	[bflag:$0x3] =	sbarrier.arrive $0xFFFF  }
0x13b: {  	_ =	shalt  }

// kernel: sparse-core-data-format-call.cloned.1.call-start
scs
called_computation_lowered:
.L_overlay_start_0:
0x0: {  	s2 =	sld [smem:$0x3FD9]  }
0x1: {  	s3 =	sld [smem:$0x3FFE];
	_ =	sdelay $0x1  }
0x2: {  	s1 =	srdreg.scid  }
0x3: {  	s0 =	sand.u32 $0x1, s1  }
0x4: {  	s18 =	sshll.u32 s0, $0xA;
	s2 =	sadd.s32 s3, s2  }
0x5: {  	s2 =	sadd.s32 s2, s18  }
0x6: {  	[smem:$0x3FC6] =	sst s2  }
0x7: {  	_ = 	snop  }
0x8: {  	s2 =	sld [smem:$0x3FD0];
	(tm) =	ssettm $0x1  }
0x9: {  	s19 =	sld [smem:$0x3FFB];
	_ =	sdelay $0x3  }
0xa: {  	_ =	strace s19  }
0xb: {  	s3 =	sld [smem:$0x3FFC];
	_ =	sdelay $0x3  }
0xc: {  	_ =	strace s3  }
0xd: {  	s3 =	sld [smem:$0x3FFD];
	_ =	sdelay $0x3  }
0xe: {  	_ =	strace s3  }
0xf: {  	_ =	strace $0x8FFFFFFF  }
0x10: {  	s20 =	sld [smem:$0x3FDB];
	_ =	sdelay $0x1  }
0x11: {  	s4 =	simm.s32 $_scs_section_size  }
0x12: {  	s5 =	simm.s32 $_size__tile_overlayer_lowered;
	s6 =	simm.s32 $_tile_overlayer_lowered  }
0x13: {  	s23 =	simm.s32 $0x1BFF;
	s22 =	sshll.u32 s6, $0x1;
	s3 =	sadd.s32 s4, s20  }
0x14: {  	s7 =	simm.s32 $0x0;
	s21 =	sshll.u32 s5, $0x1;
	s5 =	sadd.s32 s22, s3  }
0x15: {  	[timem:s7], [sflag:s23] =	dma.local [hbm:s5], s21  }
0x16: {  	_ =	swait.ge [sflag:s23], s21  }
0x17: {  	s4 =	ssub.s32 $0x0, s21;
	[sflag:s23] =	ssyncset.done $0x0  }
0x18: {  	[sflag:s23] =	ssyncadd.s32 s4;
	_ =	sdelay $0x1  }
0x19: {  	s24 =	simm.s32 $0x1B8B  }
0x1a: {  	_ =	swait.ge [sflag:s24], $0x1  }
0x1b: {  	[sflag:s24] =	ssyncset.done $0x0  }
0x1c: {  	s26 =	simm.s32 $0x1B8E;
	s25 =	sld [smem:$0x3FFE];
	[sflag:s24] =	ssyncadd.s32 $0xFFFFFFFF  }
0x1d: {  	s27 =	simm.s32 $execute0_lowered;
	[smem:$0x3FD2] =	sst s26  }
0x1e: {  	s5 =	sshll.u32 s27, $0x1;
	_ =	strace $0x80000049;
	[dreg:$0x1] =	wrdreg $0xFFFFFFFF  }
0x1f: {  	s28 =	simm.s32 $_size_execute0_lowered;
	s3 =	sadd.s32 s3, s5;
	[dreg:$0x0] =	wrdreg $0x0  }
0x20: {  	s5 =	sshll.u32 s28, $0x1;
	[dreg:$0x2] =	wrdreg s3  }
0x21: {  	[dreg:$0x3] =	wrdreg s5  }
0x22: {  	[dreg:$0x4] =	wrdreg $0xC0  }
0x23: {  	_ =	task [dreg:s7], $0x5FFFF  }
0x24: {  	[dreg:$0x1] =	wrdreg $0xFFFFFFFF  }
0x25: {  	[dreg:$0x0] =	wrdreg $0x60  }
0x26: {  	[dreg:$0x2] =	wrdreg s25  }
0x27: {  	[dreg:$0x3] =	wrdreg s2  }
0x28: {  	[dreg:$0x4] =	wrdreg $0x9  }
0x29: {  	_ =	task.clear_ibuf [dreg:s7], $0x5FFFF;
	_ =	strace $0x90000049  }
0x2a: {  	s29 =	simm.s32 $0x9;
	_ =	strace $0x8000004B  }
0x2b: {  	_ =	swait.ge [sflag:s29], $0x1  }
0x2c: {  	[sflag:s29] =	ssyncadd.s32 $0xFFFFFFFF  }
0x2d: {  	_ =	strace $0x9000004B  }
0x2e: {  	_ =	sfence  }
0x2f: {  	s30 =	sld [smem:$0x0];
	_ =	sdelay $0x2  }
0x30: {  	s31 =	sshll.u32 s1, $0xD;
	s1 =	sshrl.u32 s1, $0x2  }
0x31: {  	s3 =	sand.u32 $0x4000, s31;
	s1 =	sadd.s32 s1, s30  }
0x32: {  	s0 =	sor.u32 s3, s0;
	s1 =	sshll.u32 s1, $0x11  }
0x33: {  	s0 =	sor.u32 s1, s0  }
0x34: {  	s0 =	sadd.s32 $0x8F2B, s0  }
0x35: {  	[sflag:s0] =	ssyncadd.remote.s32 $0x1  }
0x36: {  	_ =	sfence.sel $0xFFFF  }
0x37: {  	[dreg:$0x0] =	wrdreg $0xFFFFFFFF;
	(pc) =	sbr.abs _section_cstart, $3  }
0x38: {  	[dreg:$0x1] =	wrdreg $0xFFFFFFFF  }
0x39: {  	_ =	task.clear_ibuf [dreg:s7], $0x2FFFF;
	_ =	strace $0x9FFFFFFF  }
0x3a: {  	(tm) =	ssettm $0x7FFFFFFF  }
0x3b: {  	_ =	shalt  }
tec
execute0_lowered:
.L_overlay_start_1:
0x0: {  	(tag) =	ssettag $0x1  }
0x1: {  	s0 =	srdreg.scid  }
0x2: {  	s1 =	sshll.u32 s0, $0x4  }
0x3: {  	s0 =	stileid.u32;
	s1 =	sand.u32 $0x10, s1  }
0x4: {  	s1 =	sor.u32 s0, s1  }
0x5: {  	s6 =	rddreg [dreg:$0x0];
	s4 =	simm.s32 $0x1;
	s2 =	sshll.u32 s1, $0x7  }
0x6: {  	s7 =	simm.s32 $0x2;
	s13 =	simm.s32 $0x0;
	s1 =	ssub.s32 $0x1000, s2  }
0x7: {  	s8 =	simm.s32 $0x4000;
	s12 =	simm.s32 $0x0;
	s3 =	sand.u32 $0xF80, s1  }
0x8: {  	s9 =	simm.s32 $0x0;
	s5 =	sshrl.u32 s1, $0xC;
	p0 =	sne.s32 s3, $0x0  }
.Ltmp0:
0x9: {  	s1 =	rddreg [dreg:$0x2];
	s4 =	simm.s32 @!p0 $0x0;
	(pc) =	sbr.rel .LBB1_1-.Ltmp0, $4  }
0xa: {  	s11 =	simm.s32 $0x0;
	s3 =	rddreg [dreg:$0x1];
	s5 =	sadd.s32 s4, s5  }
0xb: {  	_ =	strace $0x8000004A;
	s4 =	simm.s32 $0x1;
	s5 =	smul.u32 $0x64, s5  }
0xc: {  	s6 =	sadd.s32 $0x320A00, s6;
	s10 =	smov.u32 s2;
	[sflag:s4] =	ssyncpa.u1 $0x0  }
0xd: {  	p0 =	por $0x0, $0x0;
	[sflag:s7] =	ssyncpa.u1 $0x0;
	s7 =	sor.u32 $0x1, s5  }
.LBB1_4:
0xe: {  	v1 =	vperm.xlane.i2c.b16 v1;
	v0 =	vperm.xlane.i2c.b16 v0  }
0xf: {  	v2 =	vperm.xlane.i2c.b16 v2;
	v3 =	vperm.xlane.i2c.b16 v3  }
0x10: {  	[tilespmem:s16+$0x0 ss:$0x81] =	vst.msk $0xffff, v5;
	s17 =	sshra.s32 s17, $0x2;
	s18 =	sshll.u32 s12, $0x3;
	s19 =	sshll.u32 s12, $0x1;
	v62 =	vcombine.low v0, v1  }
0x11: {  	s13 =	sshll.u32 s13, $0xE;
	s30 =	sshrl.u32 s12, $0x1;
	[tilespmem:s16+$0x1020 ss:$0x81] =	vst.msk $0xffff, v4;
	s15 =	sadd.s32 s17, s15;
	v63 =	vcombine.low v3, v2  }
0x12: {  	s31 =	sand.u32 $0x7, s12;
	s28 =	sand.u32 $0xF0, s19;
	s29 =	sand.u32 $0xC00, s18;
	v0 =	vcombine.high v0, v1;
	[tilespmem:s15+$0x810 ss:$0x81] =	vst.msk $0xffff, v62  }
0x13: {  	s17 =	sand.u32 $0x3F00, s30;
	s13 =	sadd.s32 s3, s13;
	s16 =	sor.u32 s28, s29;
	v2 =	vcombine.high v3, v2;
	[tilespmem:s15+$0x0 ss:$0x81] =	vst.msk $0xffff, v63  }
0x14: {  	s12 =	sshll.u32 s31, $0x12;
	s13 =	sadd.s32 s17, s13;
	s16 =	sshrl.u32 s16, $0x4;
	[tilespmem:s15+$0x1830 ss:$0x81] =	vst.msk $0xffff, v0  }
0x15: {  	s12 =	sor.u32 $0x200, s12;
	s13 =	sadd.s32 s16, s13;
	[tilespmem:s15+$0x1020 ss:$0x81] =	vst.msk $0xffff, v2  }
0x16: {  	[hbm4b:s13+s12] =	stream.strided.scatter [tilespmem:s14], [sflag:$0x2], $0x2000, s8, s12, $0x20;
	[tilespmem:$0x8080] =	vst v63  }
.LBB1_5:
0x17: {  	s14 =	sadd.s32 $0x2, s9  }
0x18: {  	s12 =	sadd.s32 $0x1000, s10;
	s16 =	smov.u32 s10;
	p2 =	sgt.s32 s14, $0xC7  }
0x19: {  	s16 =	smov.u32 @p2 s12  }
0x1a: {  	s14 =	simm.s32 @p2 $0x0;
	p2 =	sgt.s32 s16, $0xFFF  }
0x1b: {  	s16 =	smov.u32 @p2 s2;
	p2 =	sne.s32 s11, s7  }
.Ltmp1:
0x1c: {  	p1 =	slt.u32 s11, $0x2;
	(pc) =	sbr.rel @!p2 .LBB1_6-.Ltmp1, $4  }
0x1d: {  	s15 =	simm.s32 @!p1 $0x2  }
0x1e: {  	s13 =	smov.u32 s9;
	p0 =	por !p0, !p0;
	_ =	swait.ge @!p1 [sflag:s15], $0x2000  }
0x1f: {  	s12 =	smov.u32 s10;
	[sflag:s15] =	ssyncset.done @!p1 $0x0;
	s9 =	smov.u32 s14  }
0x20: {  	s11 =	sadd.s32 $0x1, s11;
	[sflag:s15] =	ssyncadd.s32 @!p1 $0xFFFFE000;
	s10 =	smov.u32 s16  }
.LBB1_1:
0x21: {  	p1 =	sge.u32 s11, s5  }
0x22: {  	s14 =	sand.u32 @!p1 $0x1FFFFFE, s9  }
0x23: {  	s15 =	smulhi.u32 @!p1 $0x147AE15, s14;
	_ =	sdelay $0x1  }
0x24: {  	s15 =	smul.u32 @!p1 $0xC8, s15  }
0x25: {  	s31 =	sadd.s32 $0xFFFFFFFF, s11;
	s16 =	smul.u32 @!p1 $0x640, s10  }
0x26: {  	s17 =	simm.s32 @!p1 $0x3200;
	s14 =	ssub.s32 @!p1 s14, s15;
	s15 =	sxor.u32 @!p1 $0xFFFFFFFF, s11  }
0x27: {  	s16 =	sadd.s32 @!p1 s6, s16;
	s14 =	sshll.u32 @!p1 s14, $0x3;
	s15 =	sshll.u32 @!p1 s15, $0xD  }
0x28: {  	s14 =	sadd.s32 @!p1 s14, s16;
	s15 =	sand.u32 @!p1 $0x2000, s15;
	s16 =	simm.s32 @!p1 $0x40  }
0x29: {  	[tilespmem:s15], [sflag:$0x1] =	stream.strided.gather @!p1 [hbm4b:s14+s16], $0x2000, s17, s16, $0x38;
	[tilespmem:$0x8080] =	vst v63  }
0x2a: {  	p1 =	sge.u32 s31, s5  }
.Ltmp2:
0x2b: {  	_ = 	snop;
	(pc) =	sbr.rel @p1 .LBB1_5-.Ltmp2, $1  }
0x2c: {  	_ =	sdelay $0x3  }
0x2d: {  	s14 =	simm.s32 $0x1  }
0x2e: {  	_ =	swait.ge [sflag:s4], $0x2000;
	s14 =	simm.s32 @!p0 $0x0  }
0x2f: {  	[sflag:s4] =	ssyncset.done $0x0;
	s15 =	sshll.u32 s14, $0xD  }
0x30: {  	[sflag:s4] =	ssyncadd.s32 $0xFFFFE000;
	s15 =	sor.u32 $0x20, s15  }
0x31: {  	v0 =	vld [tilespmem:s15+$0x0]  }
0x32: {  	v1 =	vld [tilespmem:s15+$0x10]  }
0x33: {  	v2 =	vld [tilespmem:s15+$0xFFFFFFF0]  }
0x34: {  	v3 =	vld [tilespmem:s15+$0xFFFFFFE0];
	_ =	sdelay $0x1  }
0x35: {  	s14 =	smul.u32 $0x8100, s14;
	s19 =	sadd.s32 $0x40, s15  }
0x36: {  	s16 =	sand.u32 $0x1, s11;
	v4 =	vperm.xlane.i2c.b16 v1;
	v5 =	vperm.xlane.i2c.b16 v0;
	v0 =	vld [tilespmem:s19+$0x0]  }
0x37: {  	s16 =	smul.u32 $0x8100, s16;
	s14 =	sshrl.u32 s14, $0x2;
	v6 =	vperm.xlane.i2c.b16 v2;
	v1 =	vld [tilespmem:s19+$0x10]  }
0x38: {  	s15 =	sor.u32 $0x4000, s14;
	v8 =	vperm.xlane.i2c.b16 v3;
	v2 =	vld [tilespmem:s19+$0xFFFFFFF0];
	v7 =	vcombine.low v5, v4  }
0x39: {  	s31 =	sshrl.u32 s16, $0x2;
	s16 =	sadd.s32 $0x0, s15;
	v3 =	vld [tilespmem:s19+$0xFFFFFFE0];
	v9 =	vcombine.high v5, v4  }
0x3a: {  	s17 =	simm.s32 $0x4;
	v5 =	vcombine.low v8, v6;
	[tilespmem:s16+$0x810 ss:$0x81] =	vst.msk $0xffff, v7  }
0x3b: {  	s18 =	simm.s32 $0x8;
	s14 =	sor.u32 $0x4000, s31;
	s19 =	sadd.s32 $0x40, s19;
	v4 =	vcombine.high v8, v6;
	[tilespmem:s16+$0x1830 ss:$0x81] =	vst.msk $0xffff, v9  }
.LBB1_3:
0x3c: {  	v6 =	vperm.xlane.i2c.b16 v1;
	v7 =	vperm.xlane.i2c.b16 v0;
	v0 =	vld [tilespmem:s19+$0x0];
	[tilespmem:s16+$0x0 ss:$0x81] =	vst.msk $0xffff, v5;
	s20 =	smov.u32 s18;
	p1 =	sne.s32 s18, $0x1FC  }
.Ltmp3:
0x3d: {  	v8 =	vperm.xlane.i2c.b16 v2;
	v1 =	vld [tilespmem:s19+$0x10];
	[tilespmem:s16+$0x1020 ss:$0x81] =	vst.msk $0xffff, v4;
	(pc) =	sbr.rel @p1 .LBB1_3-.Ltmp3, $4  }
0x3e: {  	s18 =	sadd.s32 $0x4, s18;
	v4 =	vperm.xlane.i2c.b16 v3;
	s16 =	sshra.s32 s17, $0x2;
	v2 =	vld [tilespmem:s19+$0xFFFFFFF0];
	v9 =	vcombine.low v7, v6  }
0x3f: {  	s17 =	smov.u32 s20;
	s16 =	sadd.s32 s16, s15;
	v6 =	vcombine.high v7, v6;
	v3 =	vld [tilespmem:s19+$0xFFFFFFE0]  }
0x40: {  	v5 =	vcombine.low v4, v8;
	v4 =	vcombine.high v4, v8;
	[tilespmem:s16+$0x810 ss:$0x81] =	vst.msk $0xffff, v9  }
0x41: {  	s19 =	sadd.s32 $0x40, s19;
	[tilespmem:s16+$0x1830 ss:$0x81] =	vst.msk $0xffff, v6  }
.Ltmp4:
0x42: {  	_ = 	snop;
	(pc) =	sbr.rel .LBB1_4-.Ltmp4, $1  }
0x43: {  	_ =	sdelay $0x3  }
.LBB1_6:
0x44: {  	_ =	sfence.sel $0x180000  }
0x45: {  	s2 =	simm.s32 $0x1;
	[bflag:$0x0] =	sbarrier.arrive $0xFFFF  }
0x46: {  	s31 =	simm.s32 $0x2;
	[sflag:s2] =	ssyncpa.u1 $0x1  }
0x47: {  	[sflag:s31] =	ssyncpa.u1 $0x1  }
0x48: {  	p0 =	sne.s32 s0, $0x0;
	_ =	strace $0x9000004A  }
0x49: {  	s0 =	sadd.s32 @!p0 $0x100000, s1;
	[bflag:$0x2] =	sbarrier.arrive $0xFFFF  }
0x4a: {  	[sflag:s0] =	ssyncadd.tile.s32 @!p0 $0x1;
	_ =	shalt  }
.Lfunc_end1:
_tile_overlayer_lowered:
.L_overlay_start_2:
0x4b: {  	(tag) =	ssettag $0x2  }
0x4c: {  	s0 =	rddreg [dreg:$0x0];
	s2 =	stileid.u32  }
0x4d: {  	s1 =	rddreg [dreg:$0x1];
	p0 =	sne.s32 s2, $0x0  }
0x4e: {  	s3 =	rddreg [dreg:$0x2];
	[bflag:$0x3] =	sbarrier.arrive $0xFFFF;
	s2 =	simm.s32 @!p0 $0x1C01  }
0x4f: {  	[timem:s3], [sflag:s2] =	dma.local @!p0 [hbm:s0], s1  }
0x50: {  	s0 =	simm.s32 @!p0 $0x1  }
0x51: {  	_ =	swait.ge @!p0 [sflag:s0], s1  }
0x52: {  	s1 =	ssub.s32 @!p0 $0x0, s1;
	[sflag:s0] =	ssyncset.done @!p0 $0x0  }
0x53: {  	[sflag:s0] =	ssyncadd.s32 @!p0 s1  }
0x54: {  	[bflag:$0x3] =	sbarrier.arrive $0xFFFF  }
0x55: {  	_ =	shalt  }

</sc_bundles>
